<compile_context>
chip_gen: v7x
topology: tpu7x:2x2x1
jax: 0.10.2.dev20260603
libtpu: 0.0.44.dev20260713+nightly
codegen_flags: <defaults>
</compile_context>

<pallas_src>
import numpy as np
import jax
import jax.numpy as jnp
from jax import lax
from jax.experimental import pallas as pl
from jax.experimental.pallas import tpu as pltpu
from jax.experimental.pallas import tpu_sc as plsc

N_EDGES = 3200000
N_GRAPHS = 16
NUM_CORES = 2
NUM_SUBCORES = 16
NW = NUM_CORES * NUM_SUBCORES
CHUNK = 1280
NBLK = CHUNK // 128
NC = N_EDGES // CHUNK
ROUNDS = (NC + NW - 1) // NW
GROUPS = CHUNK // 16

_MAGIC = np.int32(0x5F3759DF)


def _rsqrt(x):
    y = lax.bitcast_convert_type(
        _MAGIC - lax.shift_right_logical(lax.bitcast_convert_type(x, jnp.int32), 1),
        jnp.float32)
    for _ in range(2):
        y = y * (1.5 - 0.5 * x * y * y)
    return y


def _body(pos8_hbm, eif_hbm, dvec_hbm, dist_hbm, hist_hbm, z1_hbm, z2_hbm,
          idx0, idx1, rows0, rows1,
          dvall0, dvall1, dist0, dist1, hist_v, h16_v, zbuf, tab_sh,
          sem_x0, sem_x1, sem_g0, sem_g1, sem_o0, sem_o1, sem_z0, sem_z1):
    sid = lax.axis_index("s")
    wid = sid * NUM_CORES + lax.axis_index("c")

    @pl.when(sid == 0)
    def _():
        pltpu.sync_copy(pos8_hbm, tab_sh)

    plsc.subcore_barrier()

    idx = (idx0, idx1)
    rows = (rows0, rows1)
    dvall = (dvall0, dvall1)
    dist = (dist0, dist1)
    sem_x = (sem_x0, sem_x1)
    sem_g = (sem_g0, sem_g1)
    sem_o = (sem_o0, sem_o1)
    sem_z = (sem_z0, sem_z1)

    lane = lax.iota(jnp.int32, 16)
    zeros16i = jnp.zeros((16,), jnp.int32)
    ones16i = jnp.ones((16,), jnp.int32)
    zeros16f = jnp.zeros((16,), jnp.float32)

    for l in range(16):
        hist_v[pl.ds(l * 16, 16)] = zeros16i

    def zinit(q, _):
        zbuf[pl.ds(q * 16, 16)] = zeros16f
        return 0

    lax.fori_loop(0, (4 * CHUNK) // 16, zinit, 0)

    def stage_idx(t, s):
        e0 = (wid + NW * t) * 2 * CHUNK
        pltpu.async_copy(eif_hbm.at[pl.ds(e0, 2 * CHUNK)], idx[s], sem_x[s])

    def wait_idx(s):
        pltpu.make_async_copy(eif_hbm.at[pl.ds(0, 2 * CHUNK)], idx[s], sem_x[s]).wait()

    def start_gather(s):
        pltpu.async_copy(tab_sh.at[idx[s]], rows[s], sem_g[s])

    def wait_gather(s):
        pltpu.make_async_copy(tab_sh.at[idx[s]], rows[s], sem_g[s]).wait()

    def start_out(t, s):
        c = wid + NW * t
        pltpu.async_copy(dvall[s], dvec_hbm.at[pl.ds(c * NBLK, NBLK)], sem_o[s])
        pltpu.async_copy(dist[s], dist_hbm.at[pl.ds(c * CHUNK, CHUNK)], sem_o[s])

    def wait_out(s):
        pltpu.make_async_copy(dvall[s], dvec_hbm.at[pl.ds(0, NBLK)], sem_o[s]).wait()
        pltpu.make_async_copy(dist[s], dist_hbm.at[pl.ds(0, CHUNK)], sem_o[s]).wait()

    def start_zeros(t, s):
        z0 = (wid + NW * t) * 4 * CHUNK
        pltpu.async_copy(zbuf, z1_hbm.at[pl.ds(z0, 4 * CHUNK)], sem_z[s])
        pltpu.async_copy(zbuf, z2_hbm.at[pl.ds(z0, 4 * CHUNK)], sem_z[s])

    def wait_zeros(s):
        pltpu.make_async_copy(zbuf, z1_hbm.at[pl.ds(0, 4 * CHUNK)], sem_z[s]).wait()
        pltpu.make_async_copy(zbuf, z2_hbm.at[pl.ds(0, 4 * CHUNK)], sem_z[s]).wait()

    def compute(s):
        rw = rows[s]
        dv = dvall[s]
        dst = dist[s]

        def group_body(g, _):
            blk = g // 8
            col = (g % 8) * 16
            rbase = 256 * blk + col + lane
            c0 = zeros16i
            xj = plsc.load_gather(rw, [rbase, c0])
            yj = plsc.load_gather(rw, [rbase, c0 + 1])
            zj = plsc.load_gather(rw, [rbase, c0 + 2])
            xi = plsc.load_gather(rw, [rbase + 128, c0])
            yi = plsc.load_gather(rw, [rbase + 128, c0 + 1])
            zi = plsc.load_gather(rw, [rbase + 128, c0 + 2])
            bi = plsc.load_gather(rw, [rbase + 128, c0 + 3])

            dx = xj - xi
            dy = yj - yi
            dz = zj - zi
            ssq = dx * dx + dy * dy + dz * dz
            d = jnp.where(ssq > 0.0, ssq * _rsqrt(ssq), 0.0)

            dv[blk, 0, pl.ds(col, 16)] = dx
            dv[blk, 1, pl.ds(col, 16)] = dy
            dv[blk, 2, pl.ds(col, 16)] = dz
            dst[pl.ds(g * 16, 16)] = d

            hidx = lane * 16 + bi.astype(jnp.int32)
            plsc.addupdate_scatter(hist_v, [hidx], ones16i)
            return 0

        lax.fori_loop(0, GROUPS, group_body, 0)

    stage_idx(0, 0)
    stage_idx(1, 1)
    wait_idx(0)
    start_gather(0)

    def round_body(r, _):
        for b in range(2):
            t = 2 * r + b
            c_t = wid + NW * t

            @pl.when(c_t < NC)
            def _():
                wait_gather(b)

            @pl.when(wid + NW * (t + 2) < NC)
            def _():
                stage_idx(t + 2, b)

            @pl.when(wid + NW * (t + 1) < NC)
            def _():
                wait_idx(1 - b)
                start_gather(1 - b)

            @pl.when(jnp.logical_and(c_t < NC, t >= 2))
            def _():
                wait_out(b)
                wait_zeros(b)

            @pl.when(c_t < NC)
            def _():
                start_zeros(t, b)
                compute(b)
                start_out(t, b)

        return 0

    lax.fori_loop(0, (ROUNDS + 1) // 2, round_body, 0)

    wait_out(0)
    wait_out(1)
    wait_zeros(0)
    wait_zeros(1)

    acc = hist_v[pl.ds(0, 16)]
    for l in range(1, 16):
        acc = acc + hist_v[pl.ds(l * 16, 16)]
    h16_v[...] = acc
    pltpu.sync_copy(h16_v, hist_hbm.at[wid])


@jax.jit
def _sc_call(pos8, eif):
    mesh = plsc.VectorSubcoreMesh(core_axis_name="c", subcore_axis_name="s")
    f = pl.kernel(
        _body,
        out_type=(
            jax.ShapeDtypeStruct((N_EDGES // 128, 4, 128), jnp.float32),
            jax.ShapeDtypeStruct((N_EDGES,), jnp.float32),
            jax.ShapeDtypeStruct((NW, N_GRAPHS), jnp.int32),
            jax.ShapeDtypeStruct((N_EDGES * 4,), jnp.float32),
            jax.ShapeDtypeStruct((N_EDGES * 4,), jnp.float32),
        ),
        mesh=mesh,
        compiler_params=pltpu.CompilerParams(
            use_tc_tiling_on_sc=False, needs_layout_passes=False),
        scratch_types=[
            pltpu.VMEM((2 * CHUNK,), jnp.int32),
            pltpu.VMEM((2 * CHUNK,), jnp.int32),
            pltpu.VMEM((2 * CHUNK, 8), jnp.float32),
            pltpu.VMEM((2 * CHUNK, 8), jnp.float32),
            pltpu.VMEM((NBLK, 4, 128), jnp.float32),
            pltpu.VMEM((NBLK, 4, 128), jnp.float32),
            pltpu.VMEM((CHUNK,), jnp.float32),
            pltpu.VMEM((CHUNK,), jnp.float32),
            pltpu.VMEM((256,), jnp.int32),
            pltpu.VMEM((16,), jnp.int32),
            pltpu.VMEM((4 * CHUNK,), jnp.float32),
            pltpu.VMEM_SHARED((50000, 8), jnp.float32),
            pltpu.SemaphoreType.DMA,
            pltpu.SemaphoreType.DMA,
            pltpu.SemaphoreType.DMA,
            pltpu.SemaphoreType.DMA,
            pltpu.SemaphoreType.DMA,
            pltpu.SemaphoreType.DMA,
            pltpu.SemaphoreType.DMA,
            pltpu.SemaphoreType.DMA,
        ],
    )
    return f(pos8, eif)


def kernel(pos, natoms, lengths, angles, batch, edge_index):
    pos8 = jnp.concatenate(
        [pos, batch.astype(jnp.float32)[:, None],
         jnp.zeros((pos.shape[0], 4), jnp.float32)], axis=1)
    eif = edge_index.reshape(2, N_EDGES // 128, 128).transpose(1, 0, 2).reshape(-1)
    dvec_blk, edge_dist, hist_part, z1, z2 = _sc_call(pos8, eif)

    def _as_e3(flat):
        return flat.reshape(N_EDGES // 128, 4, 128).transpose(0, 2, 1).reshape(
            N_EDGES, 4)[:, :3]

    distance_vec = dvec_blk.transpose(0, 2, 1).reshape(N_EDGES, 4)[:, :3]
    neighbors = jnp.sum(hist_part, axis=0)
    return (edge_index, edge_dist, distance_vec, _as_e3(z1), _as_e3(z2),
            neighbors)

# --- scband reference (transcript-rebuilt; emitter-appended) ---
"""Pipeline reference for scband-base-model-9887014715821 (READ-ONLY COPY).

The authoritative reference and input builder live on the scoring server;
editing this copy changes nothing except your own understanding.
"""

import jax, jax.numpy as jnp
import numpy as np

N_NODES = 50000
N_EDGES = 3200000
N_GRAPHS = 16

def setup_inputs(seed: int = 0):
    key = jax.random.key(seed)
    k1, k2, k3, k4, k5, k6 = jax.random.split(key, 6)
    pos = jax.random.normal(k1, (N_NODES, 3), dtype=jnp.float32) * 5.0
    natoms = jax.random.randint(k2, (N_GRAPHS,), 0, 3125, dtype=jnp.int32)
    lengths = jax.random.uniform(k3, (N_GRAPHS, 3), dtype=jnp.float32)
    angles = jax.random.uniform(k4, (N_GRAPHS, 3), dtype=jnp.float32)
    batch = jnp.sort(jax.random.randint(k5, (N_NODES,), 0, N_GRAPHS, dtype=jnp.int32))
    edge_index = jax.random.randint(k6, (2, N_EDGES), 0, N_NODES, dtype=jnp.int32)
    return {"pos": pos, "natoms": natoms, "lengths": lengths, "angles": angles, "batch": batch, "edge_index": edge_index}

def reference(pos, natoms, lengths, angles, batch, edge_index):
    # generate_graph with use_pbc=False, otf_graph=False (edge_index supplied).
    j = edge_index[0]
    i = edge_index[1]
    distance_vec = pos[j] - pos[i]                      # gather + sub
    edge_dist = jnp.sqrt(jnp.sum(distance_vec * distance_vec, axis=-1))  # norm over dim=-1
    cell_offsets = jnp.zeros((edge_index.shape[1], 3), dtype=pos.dtype)
    cell_offset_distances = jnp.zeros_like(cell_offsets)
    # compute_neighbors: number of edges (incoming) per graph in the batch
    dst_graph = batch[i]
    neighbors = jnp.bincount(dst_graph, length=natoms.shape[0])
    return (edge_index, edge_dist, distance_vec, cell_offsets, cell_offset_distances, neighbors)

if __name__ == "__main__":
    import jax
    _d = setup_inputs()
    print(jax.jit(kernel)(*tuple(_d.values())))

</pallas_src>

<mosaic_0001>
#map = affine_map<(d0, d1) -> (0, 0)>
#map1 = affine_map<(d0, d1) -> (0)>
#map2 = affine_map<(d0, d1) -> (0, 0, 0)>
module attributes {stable_mosaic.version = 14 : i64} {
  func.func @_body(%arg0: i32, %arg1: i32, %arg2: memref<50000x8xf32, #tpu.memory_space<hbm>>, %arg3: memref<6400000xi32, #tpu.memory_space<hbm>>, %arg4: memref<25000x4x128xf32, #tpu.memory_space<hbm>>, %arg5: memref<3200000xf32, #tpu.memory_space<hbm>>, %arg6: memref<32x16xi32, #tpu.memory_space<hbm>>, %arg7: memref<12800000xf32, #tpu.memory_space<hbm>>, %arg8: memref<12800000xf32, #tpu.memory_space<hbm>>, %arg9: memref<2560xi32, #tpu.memory_space<vmem>>, %arg10: memref<2560xi32, #tpu.memory_space<vmem>>, %arg11: memref<2560x8xf32, #tpu.memory_space<vmem>>, %arg12: memref<2560x8xf32, #tpu.memory_space<vmem>>, %arg13: memref<10x4x128xf32, #tpu.memory_space<vmem>>, %arg14: memref<10x4x128xf32, #tpu.memory_space<vmem>>, %arg15: memref<1280xf32, #tpu.memory_space<vmem>>, %arg16: memref<1280xf32, #tpu.memory_space<vmem>>, %arg17: memref<256xi32, #tpu.memory_space<vmem>>, %arg18: memref<16xi32, #tpu.memory_space<vmem>>, %arg19: memref<5120xf32, #tpu.memory_space<vmem>>, %arg20: memref<50000x8xf32, #tpu.memory_space<vmem_shared>>, %arg21: memref<!tpu.dma_semaphore, #tpu.memory_space<semaphore_mem>>, %arg22: memref<!tpu.dma_semaphore, #tpu.memory_space<semaphore_mem>>, %arg23: memref<!tpu.dma_semaphore, #tpu.memory_space<semaphore_mem>>, %arg24: memref<!tpu.dma_semaphore, #tpu.memory_space<semaphore_mem>>, %arg25: memref<!tpu.dma_semaphore, #tpu.memory_space<semaphore_mem>>, %arg26: memref<!tpu.dma_semaphore, #tpu.memory_space<semaphore_mem>>, %arg27: memref<!tpu.dma_semaphore, #tpu.memory_space<semaphore_mem>>, %arg28: memref<!tpu.dma_semaphore, #tpu.memory_space<semaphore_mem>>) attributes {dimension_semantics = [#tpu.dimension_semantics<core_parallel>, #tpu.dimension_semantics<subcore_parallel>], iteration_bounds = array<i64: 2, 16>, scalar_prefetch = 0 : i64, scratch_operands = 20 : i64, tpu.core_type = #tpu.core_type<sc_vector_subcore>, window_params = [{transform_indices = #map}, {transform_indices = #map1}, {transform_indices = #map2}, {transform_indices = #map1}, {transform_indices = #map}, {transform_indices = #map1}, {transform_indices = #map1}]} {
    %mul3A = arith.constant 2 : i32
    %mul3A_0 = arith.muli %arg1, %mul3A : i32
    %add3A = arith.addi %mul3A_0, %arg0 : i32
    %eq3A = arith.constant 0 : i32
    %eq3A_1 = arith.cmpi eq, %arg1, %eq3A : i32
    %convert_element_type3A = arith.extui %eq3A_1 : i1 to i32
    %cond3A = arith.constant 0 : i32
    %cond3A_2 = arith.cmpi ne, %convert_element_type3A, %cond3A : i32
    scf.if %cond3A_2 {
      "tpu.region"() ({
        %run_scoped3A = tpu.sem_alloc : memref<!tpu.dma_semaphore, #tpu.memory_space<semaphore_mem>>
        tpu.enqueue_dma source(%arg2 : memref<50000x8xf32, #tpu.memory_space<hbm>>) target(%arg20 : memref<50000x8xf32, #tpu.memory_space<vmem_shared>>) target_semaphore(%run_scoped3A : memref<!tpu.dma_semaphore, #tpu.memory_space<semaphore_mem>>)
        tpu.wait_dma2 semaphore(%run_scoped3A : memref<!tpu.dma_semaphore, #tpu.memory_space<semaphore_mem>>) src(%arg2 : memref<50000x8xf32, #tpu.memory_space<hbm>>) dst(%arg20 : memref<50000x8xf32, #tpu.memory_space<vmem_shared>>)
        tpu.yield
      }) : () -> ()
    } else {
    }
    %barrier3A = arith.constant 0 : index
    tpu.barrier barrier_id(%barrier3A)
    %iota3A = tpu.iota {dimensions = array<i32: 0>} : vector<16xi32>
    %broadcast_in_dim3A = arith.constant 0 : i32
    %broadcast_in_dim3A_3 = vector.broadcast %broadcast_in_dim3A : i32 to vector<16xi32>
    %broadcast_in_dim3A_4 = arith.constant 1 : i32
    %broadcast_in_dim3A_5 = vector.broadcast %broadcast_in_dim3A_4 : i32 to vector<16xi32>
    %broadcast_in_dim3A_6 = arith.constant 0.000000e+00 : f32
    %broadcast_in_dim3A_7 = vector.broadcast %broadcast_in_dim3A_6 : f32 to vector<16xf32>
    %swap3A = arith.constant 0 : index
    %swap3A_8 = tpu.vector_load %arg17[%swap3A] {strides = array<i32>} : memref<256xi32, #tpu.memory_space<vmem>>, vector<16xi32>,
    tpu.vector_store %arg17[%swap3A], %broadcast_in_dim3A_3 {strides = array<i32>} : memref<256xi32, #tpu.memory_space<vmem>>, vector<16xi32>,
    %swap3A_9 = arith.constant 16 : index
    %swap3A_10 = tpu.vector_load %arg17[%swap3A_9] {strides = array<i32>} : memref<256xi32, #tpu.memory_space<vmem>>, vector<16xi32>,
    tpu.vector_store %arg17[%swap3A_9], %broadcast_in_dim3A_3 {strides = array<i32>} : memref<256xi32, #tpu.memory_space<vmem>>, vector<16xi32>,
    %swap3A_11 = arith.constant 32 : index
    %swap3A_12 = tpu.vector_load %arg17[%swap3A_11] {strides = array<i32>} : memref<256xi32, #tpu.memory_space<vmem>>, vector<16xi32>,
    tpu.vector_store %arg17[%swap3A_11], %broadcast_in_dim3A_3 {strides = array<i32>} : memref<256xi32, #tpu.memory_space<vmem>>, vector<16xi32>,
    %swap3A_13 = arith.constant 48 : index
    %swap3A_14 = tpu.vector_load %arg17[%swap3A_13] {strides = array<i32>} : memref<256xi32, #tpu.memory_space<vmem>>, vector<16xi32>,
    tpu.vector_store %arg17[%swap3A_13], %broadcast_in_dim3A_3 {strides = array<i32>} : memref<256xi32, #tpu.memory_space<vmem>>, vector<16xi32>,
    %swap3A_15 = arith.constant 64 : index
    %swap3A_16 = tpu.vector_load %arg17[%swap3A_15] {strides = array<i32>} : memref<256xi32, #tpu.memory_space<vmem>>, vector<16xi32>,
    tpu.vector_store %arg17[%swap3A_15], %broadcast_in_dim3A_3 {strides = array<i32>} : memref<256xi32, #tpu.memory_space<vmem>>, vector<16xi32>,
    %swap3A_17 = arith.constant 80 : index
    %swap3A_18 = tpu.vector_load %arg17[%swap3A_17] {strides = array<i32>} : memref<256xi32, #tpu.memory_space<vmem>>, vector<16xi32>,
    tpu.vector_store %arg17[%swap3A_17], %broadcast_in_dim3A_3 {strides = array<i32>} : memref<256xi32, #tpu.memory_space<vmem>>, vector<16xi32>,
    %swap3A_19 = arith.constant 96 : index
    %swap3A_20 = tpu.vector_load %arg17[%swap3A_19] {strides = array<i32>} : memref<256xi32, #tpu.memory_space<vmem>>, vector<16xi32>,
    tpu.vector_store %arg17[%swap3A_19], %broadcast_in_dim3A_3 {strides = array<i32>} : memref<256xi32, #tpu.memory_space<vmem>>, vector<16xi32>,
    %swap3A_21 = arith.constant 112 : index
    %swap3A_22 = tpu.vector_load %arg17[%swap3A_21] {strides = array<i32>} : memref<256xi32, #tpu.memory_space<vmem>>, vector<16xi32>,
    tpu.vector_store %arg17[%swap3A_21], %broadcast_in_dim3A_3 {strides = array<i32>} : memref<256xi32, #tpu.memory_space<vmem>>, vector<16xi32>,
    %swap3A_23 = arith.constant 128 : index
    %swap3A_24 = tpu.vector_load %arg17[%swap3A_23] {strides = array<i32>} : memref<256xi32, #tpu.memory_space<vmem>>, vector<16xi32>,
    tpu.vector_store %arg17[%swap3A_23], %broadcast_in_dim3A_3 {strides = array<i32>} : memref<256xi32, #tpu.memory_space<vmem>>, vector<16xi32>,
    %swap3A_25 = arith.constant 144 : index
    %swap3A_26 = tpu.vector_load %arg17[%swap3A_25] {strides = array<i32>} : memref<256xi32, #tpu.memory_space<vmem>>, vector<16xi32>,
    tpu.vector_store %arg17[%swap3A_25], %broadcast_in_dim3A_3 {strides = array<i32>} : memref<256xi32, #tpu.memory_space<vmem>>, vector<16xi32>,
    %swap3A_27 = arith.constant 160 : index
    %swap3A_28 = tpu.vector_load %arg17[%swap3A_27] {strides = array<i32>} : memref<256xi32, #tpu.memory_space<vmem>>, vector<16xi32>,
    tpu.vector_store %arg17[%swap3A_27], %broadcast_in_dim3A_3 {strides = array<i32>} : memref<256xi32, #tpu.memory_space<vmem>>, vector<16xi32>,
    %swap3A_29 = arith.constant 176 : index
    %swap3A_30 = tpu.vector_load %arg17[%swap3A_29] {strides = array<i32>} : memref<256xi32, #tpu.memory_space<vmem>>, vector<16xi32>,
    tpu.vector_store %arg17[%swap3A_29], %broadcast_in_dim3A_3 {strides = array<i32>} : memref<256xi32, #tpu.memory_space<vmem>>, vector<16xi32>,
    %swap3A_31 = arith.constant 192 : index
    %swap3A_32 = tpu.vector_load %arg17[%swap3A_31] {strides = array<i32>} : memref<256xi32, #tpu.memory_space<vmem>>, vector<16xi32>,
    tpu.vector_store %arg17[%swap3A_31], %broadcast_in_dim3A_3 {strides = array<i32>} : memref<256xi32, #tpu.memory_space<vmem>>, vector<16xi32>,
    %swap3A_33 = arith.constant 208 : index
    %swap3A_34 = tpu.vector_load %arg17[%swap3A_33] {strides = array<i32>} : memref<256xi32, #tpu.memory_space<vmem>>, vector<16xi32>,
    tpu.vector_store %arg17[%swap3A_33], %broadcast_in_dim3A_3 {strides = array<i32>} : memref<256xi32, #tpu.memory_space<vmem>>, vector<16xi32>,
    %swap3A_35 = arith.constant 224 : index
    %swap3A_36 = tpu.vector_load %arg17[%swap3A_35] {strides = array<i32>} : memref<256xi32, #tpu.memory_space<vmem>>, vector<16xi32>,
    tpu.vector_store %arg17[%swap3A_35], %broadcast_in_dim3A_3 {strides = array<i32>} : memref<256xi32, #tpu.memory_space<vmem>>, vector<16xi32>,
    %swap3A_37 = arith.constant 240 : index
    %swap3A_38 = tpu.vector_load %arg17[%swap3A_37] {strides = array<i32>} : memref<256xi32, #tpu.memory_space<vmem>>, vector<16xi32>,
    tpu.vector_store %arg17[%swap3A_37], %broadcast_in_dim3A_3 {strides = array<i32>} : memref<256xi32, #tpu.memory_space<vmem>>, vector<16xi32>,
    %scan3A = arith.constant 0 : i32
    %scan3A_39 = arith.constant 0 : i32
    %scan3A_40 = arith.constant 320 : i32
    %scan3A_41 = arith.addi %scan3A_39, %scan3A_40 : i32
    %scan3A_42 = arith.constant 1 : i32
    %scan3A_43 = scf.for %scan3A_161 = %scan3A_39 to %scan3A_41 step %scan3A_42 iter_args(%scan3A_162 = %scan3A) -> (i32)  : i32 {
      %mul3A_163 = arith.constant 16 : i32
      %mul3A_164 = arith.muli %scan3A_161, %mul3A_163 : i32
      %swap3A_165 = arith.index_cast %mul3A_164 : i32 to index
      %swap3A_166 = tpu.vector_load %arg19[%swap3A_165] {strides = array<i32>} : memref<5120xf32, #tpu.memory_space<vmem>>, vector<16xf32>,
      tpu.vector_store %arg19[%swap3A_165], %broadcast_in_dim3A_7 {strides = array<i32>} : memref<5120xf32, #tpu.memory_space<vmem>>, vector<16xf32>,
      %scan3A_167 = arith.constant 0 : i32
      scf.yield %scan3A_167 : i32
    }
    %scan3A_44 = arith.constant 320 : i32
    %add3A_45 = arith.constant 0 : i32
    %add3A_46 = arith.addi %add3A, %add3A_45 : i32
    %mul3A_47 = arith.constant 2 : i32
    %mul3A_48 = arith.muli %add3A_46, %mul3A_47 : i32
    %mul3A_49 = arith.constant 1280 : i32
    %mul3A_50 = arith.muli %mul3A_48, %mul3A_49 : i32
    %dma_start3A = tpu.memref_slice %arg3[%mul3A_50] : memref<6400000xi32, #tpu.memory_space<hbm>> -> memref<2560xi32, #tpu.memory_space<hbm>>
    %dma_start3A_51 = tpu.memref_slice %arg3[%mul3A_50] : memref<6400000xi32, #tpu.memory_space<hbm>> -> memref<2560xi32, #tpu.memory_space<hbm>>
    tpu.enqueue_dma source(%dma_start3A_51 : memref<2560xi32, #tpu.memory_space<hbm>>) target(%arg9 : memref<2560xi32, #tpu.memory_space<vmem>>) target_semaphore(%arg21 : memref<!tpu.dma_semaphore, #tpu.memory_space<semaphore_mem>>)
    %add3A_52 = arith.constant 32 : i32
    %add3A_53 = arith.addi %add3A, %add3A_52 : i32
    %mul3A_54 = arith.constant 2 : i32
    %mul3A_55 = arith.muli %add3A_53, %mul3A_54 : i32
    %mul3A_56 = arith.constant 1280 : i32
    %mul3A_57 = arith.muli %mul3A_55, %mul3A_56 : i32
    %dma_start3A_58 = tpu.memref_slice %arg3[%mul3A_57] : memref<6400000xi32, #tpu.memory_space<hbm>> -> memref<2560xi32, #tpu.memory_space<hbm>>
    %dma_start3A_59 = tpu.memref_slice %arg3[%mul3A_57] : memref<6400000xi32, #tpu.memory_space<hbm>> -> memref<2560xi32, #tpu.memory_space<hbm>>
    tpu.enqueue_dma source(%dma_start3A_59 : memref<2560xi32, #tpu.memory_space<hbm>>) target(%arg10 : memref<2560xi32, #tpu.memory_space<vmem>>) target_semaphore(%arg22 : memref<!tpu.dma_semaphore, #tpu.memory_space<semaphore_mem>>)
    %dma_wait3A = arith.constant 0 : i32
    %dma_wait3A_60 = tpu.memref_slice %arg3[%dma_wait3A] : memref<6400000xi32, #tpu.memory_space<hbm>> -> memref<2560xi32, #tpu.memory_space<hbm>>
    %dma_wait3A_61 = arith.constant 0 : i32
    %dma_wait3A_62 = tpu.memref_slice %arg3[%dma_wait3A_61] : memref<6400000xi32, #tpu.memory_space<hbm>> -> memref<2560xi32, #tpu.memory_space<hbm>>
    tpu.wait_dma2 semaphore(%arg21 : memref<!tpu.dma_semaphore, #tpu.memory_space<semaphore_mem>>) src(%dma_wait3A_62 : memref<2560xi32, #tpu.memory_space<hbm>>) dst(%arg9 : memref<2560xi32, #tpu.memory_space<vmem>>)
    %dma_start3A_63 = arith.constant 0 : i32
    %dma_start3A_64 = arith.constant 0 : i32
    %dma_start3A_65 = tpu.memref_slice %arg20[%dma_start3A_63, %dma_start3A_64] : memref<50000x8xf32, #tpu.memory_space<vmem_shared>> -> memref<50000x8xf32, #tpu.memory_space<vmem_shared>>
    tpu.enqueue_indirect_dma source(%dma_start3A_65 : memref<50000x8xf32, #tpu.memory_space<vmem_shared>>) target(%arg11 : memref<2560x8xf32, #tpu.memory_space<vmem>>) offsets(%arg9 : memref<2560xi32, #tpu.memory_space<vmem>>) semaphore(%arg23 : memref<!tpu.dma_semaphore, #tpu.memory_space<semaphore_mem>>)
    %scan3A_66 = arith.constant 0 : i32
    %scan3A_67 = arith.constant 0 : i32
    %scan3A_68 = arith.constant 40 : i32
    %scan3A_69 = arith.addi %scan3A_67, %scan3A_68 : i32
    %scan3A_70 = arith.constant 1 : i32
    %scan3A_71 = scf.for %scan3A_161 = %scan3A_67 to %scan3A_69 step %scan3A_70 iter_args(%scan3A_162 = %scan3A_66) -> (i32)  : i32 {
      %mul3A_163 = arith.constant 2 : i32
      %mul3A_164 = arith.muli %mul3A_163, %scan3A_161 : i32
      %add3A_165 = arith.constant 0 : i32
      %add3A_166 = arith.addi %mul3A_164, %add3A_165 : i32
      %mul3A_167 = arith.constant 32 : i32
      %mul3A_168 = arith.muli %mul3A_167, %add3A_166 : i32
      %add3A_169 = arith.addi %add3A, %mul3A_168 : i32
      %lt3A = arith.constant 2500 : i32
      %lt3A_170 = arith.cmpi slt, %add3A_169, %lt3A : i32
      %convert_element_type3A_171 = arith.extui %lt3A_170 : i1 to i32
      %cond3A_172 = arith.constant 0 : i32
      %cond3A_173 = arith.cmpi ne, %convert_element_type3A_171, %cond3A_172 : i32
      scf.if %cond3A_173 {
        %dma_wait3A_251 = arith.constant 0 : i32
        %dma_wait3A_252 = arith.constant 0 : i32
        %dma_wait3A_253 = tpu.memref_slice %arg20[%dma_wait3A_251, %dma_wait3A_252] : memref<50000x8xf32, #tpu.memory_space<vmem_shared>> -> memref<50000x8xf32, #tpu.memory_space<vmem_shared>>
        tpu.wait_indirect_dma semaphore(%arg23 : memref<!tpu.dma_semaphore, #tpu.memory_space<semaphore_mem>>) src(%dma_wait3A_253 : memref<50000x8xf32, #tpu.memory_space<vmem_shared>>) dst(%arg11 : memref<2560x8xf32, #tpu.memory_space<vmem>>)
      } else {
      }
      %add3A_174 = arith.constant 2 : i32
      %add3A_175 = arith.addi %add3A_166, %add3A_174 : i32
      %mul3A_176 = arith.constant 32 : i32
      %mul3A_177 = arith.muli %mul3A_176, %add3A_175 : i32
      %add3A_178 = arith.addi %add3A, %mul3A_177 : i32
      %lt3A_179 = arith.constant 2500 : i32
      %lt3A_180 = arith.cmpi slt, %add3A_178, %lt3A_179 : i32
      %convert_element_type3A_181 = arith.extui %lt3A_180 : i1 to i32
      %cond3A_182 = arith.constant 0 : i32
      %cond3A_183 = arith.cmpi ne, %convert_element_type3A_181, %cond3A_182 : i32
      scf.if %cond3A_183 {
        %add3A_251 = arith.constant 2 : i32
        %add3A_252 = arith.addi %add3A_166, %add3A_251 : i32
        %mul3A_253 = arith.constant 32 : i32
        %mul3A_254 = arith.muli %mul3A_253, %add3A_252 : i32
        %add3A_255 = arith.addi %add3A, %mul3A_254 : i32
        %mul3A_256 = arith.constant 2 : i32
        %mul3A_257 = arith.muli %add3A_255, %mul3A_256 : i32
        %mul3A_258 = arith.constant 1280 : i32
        %mul3A_259 = arith.muli %mul3A_257, %mul3A_258 : i32
        %dma_start3A_260 = tpu.memref_slice %arg3[%mul3A_259] : memref<6400000xi32, #tpu.memory_space<hbm>> -> memref<2560xi32, #tpu.memory_space<hbm>>
        %dma_start3A_261 = tpu.memref_slice %arg3[%mul3A_259] : memref<6400000xi32, #tpu.memory_space<hbm>> -> memref<2560xi32, #tpu.memory_space<hbm>>
        tpu.enqueue_dma source(%dma_start3A_261 : memref<2560xi32, #tpu.memory_space<hbm>>) target(%arg9 : memref<2560xi32, #tpu.memory_space<vmem>>) target_semaphore(%arg21 : memref<!tpu.dma_semaphore, #tpu.memory_space<semaphore_mem>>)
      } else {
      }
      %add3A_184 = arith.constant 1 : i32
      %add3A_185 = arith.addi %add3A_166, %add3A_184 : i32
      %mul3A_186 = arith.constant 32 : i32
      %mul3A_187 = arith.muli %mul3A_186, %add3A_185 : i32
      %add3A_188 = arith.addi %add3A, %mul3A_187 : i32
      %lt3A_189 = arith.constant 2500 : i32
      %lt3A_190 = arith.cmpi slt, %add3A_188, %lt3A_189 : i32
      %convert_element_type3A_191 = arith.extui %lt3A_190 : i1 to i32
      %cond3A_192 = arith.constant 0 : i32
      %cond3A_193 = arith.cmpi ne, %convert_element_type3A_191, %cond3A_192 : i32
      scf.if %cond3A_193 {
        %dma_wait3A_251 = arith.constant 0 : i32
        %dma_wait3A_252 = tpu.memref_slice %arg3[%dma_wait3A_251] : memref<6400000xi32, #tpu.memory_space<hbm>> -> memref<2560xi32, #tpu.memory_space<hbm>>
        %dma_wait3A_253 = arith.constant 0 : i32
        %dma_wait3A_254 = tpu.memref_slice %arg3[%dma_wait3A_253] : memref<6400000xi32, #tpu.memory_space<hbm>> -> memref<2560xi32, #tpu.memory_space<hbm>>
        tpu.wait_dma2 semaphore(%arg22 : memref<!tpu.dma_semaphore, #tpu.memory_space<semaphore_mem>>) src(%dma_wait3A_254 : memref<2560xi32, #tpu.memory_space<hbm>>) dst(%arg10 : memref<2560xi32, #tpu.memory_space<vmem>>)
        %dma_start3A_255 = arith.constant 0 : i32
        %dma_start3A_256 = arith.constant 0 : i32
        %dma_start3A_257 = tpu.memref_slice %arg20[%dma_start3A_255, %dma_start3A_256] : memref<50000x8xf32, #tpu.memory_space<vmem_shared>> -> memref<50000x8xf32, #tpu.memory_space<vmem_shared>>
        tpu.enqueue_indirect_dma source(%dma_start3A_257 : memref<50000x8xf32, #tpu.memory_space<vmem_shared>>) target(%arg12 : memref<2560x8xf32, #tpu.memory_space<vmem>>) offsets(%arg10 : memref<2560xi32, #tpu.memory_space<vmem>>) semaphore(%arg24 : memref<!tpu.dma_semaphore, #tpu.memory_space<semaphore_mem>>)
      } else {
      }
      %lt3A_194 = arith.constant 2500 : i32
      %lt3A_195 = arith.cmpi slt, %add3A_169, %lt3A_194 : i32
      %ge3A = arith.constant 2 : i32
      %ge3A_196 = arith.cmpi sge, %add3A_166, %ge3A : i32
      %and3A = arith.andi %lt3A_195, %ge3A_196 : i1
      %convert_element_type3A_197 = arith.extui %and3A : i1 to i32
      %cond3A_198 = arith.constant 0 : i32
      %cond3A_199 = arith.cmpi ne, %convert_element_type3A_197, %cond3A_198 : i32
      scf.if %cond3A_199 {
        %dma_wait3A_251 = arith.constant 0 : i32
        %dma_wait3A_252 = arith.constant 0 : i32
        %dma_wait3A_253 = arith.constant 0 : i32
        %dma_wait3A_254 = tpu.memref_slice %arg4[%dma_wait3A_251, %dma_wait3A_252, %dma_wait3A_253] : memref<25000x4x128xf32, #tpu.memory_space<hbm>> -> memref<10x4x128xf32, #tpu.memory_space<hbm>>
        %dma_wait3A_255 = arith.constant 0 : i32
        %dma_wait3A_256 = arith.constant 0 : i32
        %dma_wait3A_257 = arith.constant 0 : i32
        %dma_wait3A_258 = tpu.memref_slice %arg4[%dma_wait3A_255, %dma_wait3A_256, %dma_wait3A_257] : memref<25000x4x128xf32, #tpu.memory_space<hbm>> -> memref<10x4x128xf32, #tpu.memory_space<hbm>>
        tpu.wait_dma2 semaphore(%arg25 : memref<!tpu.dma_semaphore, #tpu.memory_space<semaphore_mem>>) src(%arg13 : memref<10x4x128xf32, #tpu.memory_space<vmem>>) dst(%dma_wait3A_258 : memref<10x4x128xf32, #tpu.memory_space<hbm>>)
        %dma_wait3A_259 = arith.constant 0 : i32
        %dma_wait3A_260 = tpu.memref_slice %arg5[%dma_wait3A_259] : memref<3200000xf32, #tpu.memory_space<hbm>> -> memref<1280xf32, #tpu.memory_space<hbm>>
        %dma_wait3A_261 = arith.constant 0 : i32
        %dma_wait3A_262 = tpu.memref_slice %arg5[%dma_wait3A_261] : memref<3200000xf32, #tpu.memory_space<hbm>> -> memref<1280xf32, #tpu.memory_space<hbm>>
        tpu.wait_dma2 semaphore(%arg25 : memref<!tpu.dma_semaphore, #tpu.memory_space<semaphore_mem>>) src(%arg15 : memref<1280xf32, #tpu.memory_space<vmem>>) dst(%dma_wait3A_262 : memref<1280xf32, #tpu.memory_space<hbm>>)
        %dma_wait3A_263 = arith.constant 0 : i32
        %dma_wait3A_264 = tpu.memref_slice %arg7[%dma_wait3A_263] : memref<12800000xf32, #tpu.memory_space<hbm>> -> memref<5120xf32, #tpu.memory_space<hbm>>
        %dma_wait3A_265 = arith.constant 0 : i32
        %dma_wait3A_266 = tpu.memref_slice %arg7[%dma_wait3A_265] : memref<12800000xf32, #tpu.memory_space<hbm>> -> memref<5120xf32, #tpu.memory_space<hbm>>
        tpu.wait_dma2 semaphore(%arg27 : memref<!tpu.dma_semaphore, #tpu.memory_space<semaphore_mem>>) src(%arg19 : memref<5120xf32, #tpu.memory_space<vmem>>) dst(%dma_wait3A_266 : memref<5120xf32, #tpu.memory_space<hbm>>)
        %dma_wait3A_267 = arith.constant 0 : i32
        %dma_wait3A_268 = tpu.memref_slice %arg8[%dma_wait3A_267] : memref<12800000xf32, #tpu.memory_space<hbm>> -> memref<5120xf32, #tpu.memory_space<hbm>>
        %dma_wait3A_269 = arith.constant 0 : i32
        %dma_wait3A_270 = tpu.memref_slice %arg8[%dma_wait3A_269] : memref<12800000xf32, #tpu.memory_space<hbm>> -> memref<5120xf32, #tpu.memory_space<hbm>>
        tpu.wait_dma2 semaphore(%arg27 : memref<!tpu.dma_semaphore, #tpu.memory_space<semaphore_mem>>) src(%arg19 : memref<5120xf32, #tpu.memory_space<vmem>>) dst(%dma_wait3A_270 : memref<5120xf32, #tpu.memory_space<hbm>>)
      } else {
      }
      %lt3A_200 = arith.constant 2500 : i32
      %lt3A_201 = arith.cmpi slt, %add3A_169, %lt3A_200 : i32
      %convert_element_type3A_202 = arith.extui %lt3A_201 : i1 to i32
      %cond3A_203 = arith.constant 0 : i32
      %cond3A_204 = arith.cmpi ne, %convert_element_type3A_202, %cond3A_203 : i32
      scf.if %cond3A_204 {
        %mul3A_251 = arith.constant 32 : i32
        %mul3A_252 = arith.muli %mul3A_251, %add3A_166 : i32
        %add3A_253 = arith.addi %add3A, %mul3A_252 : i32
        %mul3A_254 = arith.constant 4 : i32
        %mul3A_255 = arith.muli %add3A_253, %mul3A_254 : i32
        %mul3A_256 = arith.constant 1280 : i32
        %mul3A_257 = arith.muli %mul3A_255, %mul3A_256 : i32
        %dma_start3A_258 = tpu.memref_slice %arg7[%mul3A_257] : memref<12800000xf32, #tpu.memory_space<hbm>> -> memref<5120xf32, #tpu.memory_space<hbm>>
        %dma_start3A_259 = tpu.memref_slice %arg7[%mul3A_257] : memref<12800000xf32, #tpu.memory_space<hbm>> -> memref<5120xf32, #tpu.memory_space<hbm>>
        tpu.enqueue_dma source(%arg19 : memref<5120xf32, #tpu.memory_space<vmem>>) target(%dma_start3A_259 : memref<5120xf32, #tpu.memory_space<hbm>>) target_semaphore(%arg27 : memref<!tpu.dma_semaphore, #tpu.memory_space<semaphore_mem>>)
        %dma_start3A_260 = tpu.memref_slice %arg8[%mul3A_257] : memref<12800000xf32, #tpu.memory_space<hbm>> -> memref<5120xf32, #tpu.memory_space<hbm>>
        %dma_start3A_261 = tpu.memref_slice %arg8[%mul3A_257] : memref<12800000xf32, #tpu.memory_space<hbm>> -> memref<5120xf32, #tpu.memory_space<hbm>>
        tpu.enqueue_dma source(%arg19 : memref<5120xf32, #tpu.memory_space<vmem>>) target(%dma_start3A_261 : memref<5120xf32, #tpu.memory_space<hbm>>) target_semaphore(%arg27 : memref<!tpu.dma_semaphore, #tpu.memory_space<semaphore_mem>>)
        %scan3A_262 = arith.constant 0 : i32
        %scan3A_263 = arith.constant 0 : i32
        %scan3A_264 = arith.constant 80 : i32
        %scan3A_265 = arith.addi %scan3A_263, %scan3A_264 : i32
        %scan3A_266 = arith.constant 1 : i32
        %scan3A_267 = scf.for %scan3A_284 = %scan3A_263 to %scan3A_265 step %scan3A_266 iter_args(%scan3A_285 = %scan3A_262) -> (i32)  : i32 {
          %jit3A = arith.constant 8 : i32
          %div3A = arith.divsi %scan3A_284, %jit3A : i32
          %sign3A = arith.constant 0 : i32
          %sign3A_286 = arith.cmpi sgt, %scan3A_284, %sign3A : i32
          %sign3A_287 = arith.extui %sign3A_286 : i1 to i32
          %sign3A_288 = arith.constant 0 : i32
          %sign3A_289 = arith.cmpi slt, %scan3A_284, %sign3A_288 : i32
          %sign3A_290 = arith.extui %sign3A_289 : i1 to i32
          %sign3A_291 = arith.subi %sign3A_287, %sign3A_290 : i32
          %sign3A_292 = arith.constant 0 : i32
          %sign3A_293 = arith.cmpi sgt, %jit3A, %sign3A_292 : i32
          %sign3A_294 = arith.extui %sign3A_293 : i1 to i32
          %sign3A_295 = arith.constant 0 : i32
          %sign3A_296 = arith.cmpi slt, %jit3A, %sign3A_295 : i32
          %sign3A_297 = arith.extui %sign3A_296 : i1 to i32
          %sign3A_298 = arith.subi %sign3A_294, %sign3A_297 : i32
          %ne3A = arith.cmpi ne, %sign3A_291, %sign3A_298 : i32
          %rem3A = arith.remsi %scan3A_284, %jit3A : i32
          %ne3A_299 = arith.constant 0 : i32
          %ne3A_300 = arith.cmpi ne, %rem3A, %ne3A_299 : i32
          %and3A_301 = arith.andi %ne3A, %ne3A_300 : i1
          %sub3A = arith.constant 1 : i32
          %sub3A_302 = arith.subi %div3A, %sub3A : i32
          %select_n3A = arith.select %and3A_301, %sub3A_302, %div3A : i32
          %jit3A_303 = arith.constant 8 : i32
          %eq3A_304 = arith.constant 0 : i32
          %eq3A_305 = arith.cmpi eq, %jit3A_303, %eq3A_304 : i32
          %jit3A_306 = arith.constant 1 : i32
          %select_n3A_307 = arith.select %eq3A_305, %jit3A_306, %jit3A_303 : i32
          %rem3A_308 = arith.remsi %scan3A_284, %select_n3A_307 : i32
          %ne3A_309 = arith.constant 0 : i32
          %ne3A_310 = arith.cmpi ne, %rem3A_308, %ne3A_309 : i32
          %lt3A_311 = arith.constant 0 : i32
          %lt3A_312 = arith.cmpi slt, %rem3A_308, %lt3A_311 : i32
          %lt3A_313 = arith.constant 0 : i32
          %lt3A_314 = arith.cmpi slt, %select_n3A_307, %lt3A_313 : i32
          %ne3A_315 = arith.xori %lt3A_312, %lt3A_314 : i1
          %and3A_316 = arith.andi %ne3A_315, %ne3A_310 : i1
          %add3A_317 = arith.addi %rem3A_308, %select_n3A_307 : i32
          %select_n3A_318 = arith.select %and3A_316, %add3A_317, %rem3A_308 : i32
          %mul3A_319 = arith.constant 16 : i32
          %mul3A_320 = arith.muli %select_n3A_318, %mul3A_319 : i32
          %mul3A_321 = arith.constant 256 : i32
          %mul3A_322 = arith.muli %mul3A_321, %select_n3A : i32
          %add3A_323 = arith.addi %mul3A_322, %mul3A_320 : i32
          %add3A_324 = vector.broadcast %add3A_323 : i32 to vector<16xi32>
          %add3A_325 = arith.addi %add3A_324, %iota3A : vector<16xi32>
          %gather3A = tpu.vector_load_idx %arg11[%add3A_325, %broadcast_in_dim3A_3] : memref<2560x8xf32, #tpu.memory_space<vmem>>[vector<16xi32>, vector<16xi32>], vector<16xf32>,
          %add3A_326 = arith.constant 1 : i32
          %add3A_327 = vector.broadcast %add3A_326 : i32 to vector<16xi32>
          %add3A_328 = arith.addi %broadcast_in_dim3A_3, %add3A_327 : vector<16xi32>
          %gather3A_329 = tpu.vector_load_idx %arg11[%add3A_325, %add3A_328] : memref<2560x8xf32, #tpu.memory_space<vmem>>[vector<16xi32>, vector<16xi32>], vector<16xf32>,
          %add3A_330 = arith.constant 2 : i32
          %add3A_331 = vector.broadcast %add3A_330 : i32 to vector<16xi32>
          %add3A_332 = arith.addi %broadcast_in_dim3A_3, %add3A_331 : vector<16xi32>
          %gather3A_333 = tpu.vector_load_idx %arg11[%add3A_325, %add3A_332] : memref<2560x8xf32, #tpu.memory_space<vmem>>[vector<16xi32>, vector<16xi32>], vector<16xf32>,
          %add3A_334 = arith.constant 128 : i32
          %add3A_335 = vector.broadcast %add3A_334 : i32 to vector<16xi32>
          %add3A_336 = arith.addi %add3A_325, %add3A_335 : vector<16xi32>
          %gather3A_337 = tpu.vector_load_idx %arg11[%add3A_336, %broadcast_in_dim3A_3] : memref<2560x8xf32, #tpu.memory_space<vmem>>[vector<16xi32>, vector<16xi32>], vector<16xf32>,
          %add3A_338 = arith.constant 128 : i32
          %add3A_339 = vector.broadcast %add3A_338 : i32 to vector<16xi32>
          %add3A_340 = arith.addi %add3A_325, %add3A_339 : vector<16xi32>
          %add3A_341 = arith.constant 1 : i32
          %add3A_342 = vector.broadcast %add3A_341 : i32 to vector<16xi32>
          %add3A_343 = arith.addi %broadcast_in_dim3A_3, %add3A_342 : vector<16xi32>
          %gather3A_344 = tpu.vector_load_idx %arg11[%add3A_340, %add3A_343] : memref<2560x8xf32, #tpu.memory_space<vmem>>[vector<16xi32>, vector<16xi32>], vector<16xf32>,
          %add3A_345 = arith.constant 128 : i32
          %add3A_346 = vector.broadcast %add3A_345 : i32 to vector<16xi32>
          %add3A_347 = arith.addi %add3A_325, %add3A_346 : vector<16xi32>
          %add3A_348 = arith.constant 2 : i32
          %add3A_349 = vector.broadcast %add3A_348 : i32 to vector<16xi32>
          %add3A_350 = arith.addi %broadcast_in_dim3A_3, %add3A_349 : vector<16xi32>
          %gather3A_351 = tpu.vector_load_idx %arg11[%add3A_347, %add3A_350] : memref<2560x8xf32, #tpu.memory_space<vmem>>[vector<16xi32>, vector<16xi32>], vector<16xf32>,
          %add3A_352 = arith.constant 128 : i32
          %add3A_353 = vector.broadcast %add3A_352 : i32 to vector<16xi32>
          %add3A_354 = arith.addi %add3A_325, %add3A_353 : vector<16xi32>
          %add3A_355 = arith.constant 3 : i32
          %add3A_356 = vector.broadcast %add3A_355 : i32 to vector<16xi32>
          %add3A_357 = arith.addi %broadcast_in_dim3A_3, %add3A_356 : vector<16xi32>
          %gather3A_358 = tpu.vector_load_idx %arg11[%add3A_354, %add3A_357] : memref<2560x8xf32, #tpu.memory_space<vmem>>[vector<16xi32>, vector<16xi32>], vector<16xf32>,
          %sub3A_359 = arith.subf %gather3A, %gather3A_337 : vector<16xf32>
          %sub3A_360 = arith.subf %gather3A_329, %gather3A_344 : vector<16xf32>
          %sub3A_361 = arith.subf %gather3A_333, %gather3A_351 : vector<16xf32>
          %mul3A_362 = arith.mulf %sub3A_359, %sub3A_359 : vector<16xf32>
          %mul3A_363 = arith.mulf %sub3A_360, %sub3A_360 : vector<16xf32>
          %add3A_364 = arith.addf %mul3A_362, %mul3A_363 : vector<16xf32>
          %mul3A_365 = arith.mulf %sub3A_361, %sub3A_361 : vector<16xf32>
          %add3A_366 = arith.addf %add3A_364, %mul3A_365 : vector<16xf32>
          %gt3A = arith.constant 0.000000e+00 : f32
          %gt3A_367 = vector.broadcast %gt3A : f32 to vector<16xf32>
          %gt3A_368 = arith.cmpf ogt, %add3A_366, %gt3A_367 : vector<16xf32>
          %bitcast_convert_type3A = tpu.bitcast %add3A_366 : vector<16xf32> -> vector<16xi32>
          %shift_right_logical3A = arith.constant 1 : i32
          %shift_right_logical3A_369 = vector.broadcast %shift_right_logical3A : i32 to vector<16xi32>
          %shift_right_logical3A_370 = arith.shrui %bitcast_convert_type3A, %shift_right_logical3A_369 : vector<16xi32>
          %sub3A_371 = arith.constant 1597463007 : i32
          %sub3A_372 = vector.broadcast %sub3A_371 : i32 to vector<16xi32>
          %sub3A_373 = arith.subi %sub3A_372, %shift_right_logical3A_370 : vector<16xi32>
          %bitcast_convert_type3A_374 = tpu.bitcast %sub3A_373 : vector<16xi32> -> vector<16xf32>
          %mul3A_375 = arith.constant 5.000000e-01 : f32
          %mul3A_376 = vector.broadcast %mul3A_375 : f32 to vector<16xf32>
          %mul3A_377 = arith.mulf %mul3A_376, %add3A_366 : vector<16xf32>
          %mul3A_378 = arith.mulf %mul3A_377, %bitcast_convert_type3A_374 : vector<16xf32>
          %mul3A_379 = arith.mulf %mul3A_378, %bitcast_convert_type3A_374 : vector<16xf32>
          %sub3A_380 = arith.constant 1.500000e+00 : f32
          %sub3A_381 = vector.broadcast %sub3A_380 : f32 to vector<16xf32>
          %sub3A_382 = arith.subf %sub3A_381, %mul3A_379 : vector<16xf32>
          %mul3A_383 = arith.mulf %bitcast_convert_type3A_374, %sub3A_382 : vector<16xf32>
          %mul3A_384 = arith.constant 5.000000e-01 : f32
          %mul3A_385 = vector.broadcast %mul3A_384 : f32 to vector<16xf32>
          %mul3A_386 = arith.mulf %mul3A_385, %add3A_366 : vector<16xf32>
          %mul3A_387 = arith.mulf %mul3A_386, %mul3A_383 : vector<16xf32>
          %mul3A_388 = arith.mulf %mul3A_387, %mul3A_383 : vector<16xf32>
          %sub3A_389 = arith.constant 1.500000e+00 : f32
          %sub3A_390 = vector.broadcast %sub3A_389 : f32 to vector<16xf32>
          %sub3A_391 = arith.subf %sub3A_390, %mul3A_388 : vector<16xf32>
          %mul3A_392 = arith.mulf %mul3A_383, %sub3A_391 : vector<16xf32>
          %mul3A_393 = arith.mulf %add3A_366, %mul3A_392 : vector<16xf32>
          %jit3A_394 = arith.constant 0.000000e+00 : f32
          %broadcast_in_dim3A_395 = vector.broadcast %jit3A_394 : f32 to vector<16xf32>
          %select_n3A_396 = arith.select %gt3A_368, %mul3A_393, %broadcast_in_dim3A_395 : vector<16xi1>, vector<16xf32>
          %swap3A_397 = arith.constant 0 : i32
          %swap3A_398 = arith.index_cast %select_n3A : i32 to index
          %swap3A_399 = arith.index_cast %swap3A_397 : i32 to index
          %swap3A_400 = arith.index_cast %mul3A_320 : i32 to index
          %swap3A_401 = tpu.vector_load %arg13[%swap3A_398, %swap3A_399, %swap3A_400] {strides = array<i32>} : memref<10x4x128xf32, #tpu.memory_space<vmem>>, vector<16xf32>,
          tpu.vector_store %arg13[%swap3A_398, %swap3A_399, %swap3A_400], %sub3A_359 {strides = array<i32>} : memref<10x4x128xf32, #tpu.memory_space<vmem>>, vector<16xf32>,
          %swap3A_402 = arith.constant 1 : i32
          %swap3A_403 = arith.index_cast %select_n3A : i32 to index
          %swap3A_404 = arith.index_cast %swap3A_402 : i32 to index
          %swap3A_405 = arith.index_cast %mul3A_320 : i32 to index
          %swap3A_406 = tpu.vector_load %arg13[%swap3A_403, %swap3A_404, %swap3A_405] {strides = array<i32>} : memref<10x4x128xf32, #tpu.memory_space<vmem>>, vector<16xf32>,
          tpu.vector_store %arg13[%swap3A_403, %swap3A_404, %swap3A_405], %sub3A_360 {strides = array<i32>} : memref<10x4x128xf32, #tpu.memory_space<vmem>>, vector<16xf32>,
          %swap3A_407 = arith.constant 2 : i32
          %swap3A_408 = arith.index_cast %select_n3A : i32 to index
          %swap3A_409 = arith.index_cast %swap3A_407 : i32 to index
          %swap3A_410 = arith.index_cast %mul3A_320 : i32 to index
          %swap3A_411 = tpu.vector_load %arg13[%swap3A_408, %swap3A_409, %swap3A_410] {strides = array<i32>} : memref<10x4x128xf32, #tpu.memory_space<vmem>>, vector<16xf32>,
          tpu.vector_store %arg13[%swap3A_408, %swap3A_409, %swap3A_410], %sub3A_361 {strides = array<i32>} : memref<10x4x128xf32, #tpu.memory_space<vmem>>, vector<16xf32>,
          %mul3A_412 = arith.constant 16 : i32
          %mul3A_413 = arith.muli %scan3A_284, %mul3A_412 : i32
          %swap3A_414 = arith.index_cast %mul3A_413 : i32 to index
          %swap3A_415 = tpu.vector_load %arg15[%swap3A_414] {strides = array<i32>} : memref<1280xf32, #tpu.memory_space<vmem>>, vector<16xf32>,
          tpu.vector_store %arg15[%swap3A_414], %select_n3A_396 {strides = array<i32>} : memref<1280xf32, #tpu.memory_space<vmem>>, vector<16xf32>,
          %mul3A_416 = arith.constant 16 : i32
          %mul3A_417 = vector.broadcast %mul3A_416 : i32 to vector<16xi32>
          %mul3A_418 = arith.muli %iota3A, %mul3A_417 : vector<16xi32>
          %convert_element_type3A_419 = arith.fptosi %gather3A_358 : vector<16xf32> to vector<16xi32>
          %add3A_420 = arith.addi %mul3A_418, %convert_element_type3A_419 : vector<16xi32>
          tpu.vector_store_idx %arg17[%add3A_420], %broadcast_in_dim3A_5 {add = true} : memref<256xi32, #tpu.memory_space<vmem>>[vector<16xi32>], vector<16xi32>,
          %scan3A_421 = arith.constant 0 : i32
          scf.yield %scan3A_421 : i32
        }
        %scan3A_268 = arith.constant 80 : i32
        %mul3A_269 = arith.constant 32 : i32
        %mul3A_270 = arith.muli %mul3A_269, %add3A_166 : i32
        %add3A_271 = arith.addi %add3A, %mul3A_270 : i32
        %mul3A_272 = arith.constant 10 : i32
        %mul3A_273 = arith.muli %add3A_271, %mul3A_272 : i32
        %dma_start3A_274 = arith.constant 0 : i32
        %dma_start3A_275 = arith.constant 0 : i32
        %dma_start3A_276 = tpu.memref_slice %arg4[%mul3A_273, %dma_start3A_274, %dma_start3A_275] : memref<25000x4x128xf32, #tpu.memory_space<hbm>> -> memref<10x4x128xf32, #tpu.memory_space<hbm>>
        %dma_start3A_277 = arith.constant 0 : i32
        %dma_start3A_278 = arith.constant 0 : i32
        %dma_start3A_279 = tpu.memref_slice %arg4[%mul3A_273, %dma_start3A_277, %dma_start3A_278] : memref<25000x4x128xf32, #tpu.memory_space<hbm>> -> memref<10x4x128xf32, #tpu.memory_space<hbm>>
        tpu.enqueue_dma source(%arg13 : memref<10x4x128xf32, #tpu.memory_space<vmem>>) target(%dma_start3A_279 : memref<10x4x128xf32, #tpu.memory_space<hbm>>) target_semaphore(%arg25 : memref<!tpu.dma_semaphore, #tpu.memory_space<semaphore_mem>>)
        %mul3A_280 = arith.constant 1280 : i32
        %mul3A_281 = arith.muli %add3A_271, %mul3A_280 : i32
        %dma_start3A_282 = tpu.memref_slice %arg5[%mul3A_281] : memref<3200000xf32, #tpu.memory_space<hbm>> -> memref<1280xf32, #tpu.memory_space<hbm>>
        %dma_start3A_283 = tpu.memref_slice %arg5[%mul3A_281] : memref<3200000xf32, #tpu.memory_space<hbm>> -> memref<1280xf32, #tpu.memory_space<hbm>>
        tpu.enqueue_dma source(%arg15 : memref<1280xf32, #tpu.memory_space<vmem>>) target(%dma_start3A_283 : memref<1280xf32, #tpu.memory_space<hbm>>) target_semaphore(%arg25 : memref<!tpu.dma_semaphore, #tpu.memory_space<semaphore_mem>>)
      } else {
      }
      %mul3A_205 = arith.constant 2 : i32
      %mul3A_206 = arith.muli %mul3A_205, %scan3A_161 : i32
      %add3A_207 = arith.constant 1 : i32
      %add3A_208 = arith.addi %mul3A_206, %add3A_207 : i32
      %mul3A_209 = arith.constant 32 : i32
      %mul3A_210 = arith.muli %mul3A_209, %add3A_208 : i32
      %add3A_211 = arith.addi %add3A, %mul3A_210 : i32
      %lt3A_212 = arith.constant 2500 : i32
      %lt3A_213 = arith.cmpi slt, %add3A_211, %lt3A_212 : i32
      %convert_element_type3A_214 = arith.extui %lt3A_213 : i1 to i32
      %cond3A_215 = arith.constant 0 : i32
      %cond3A_216 = arith.cmpi ne, %convert_element_type3A_214, %cond3A_215 : i32
      scf.if %cond3A_216 {
        %dma_wait3A_251 = arith.constant 0 : i32
        %dma_wait3A_252 = arith.constant 0 : i32
        %dma_wait3A_253 = tpu.memref_slice %arg20[%dma_wait3A_251, %dma_wait3A_252] : memref<50000x8xf32, #tpu.memory_space<vmem_shared>> -> memref<50000x8xf32, #tpu.memory_space<vmem_shared>>
        tpu.wait_indirect_dma semaphore(%arg24 : memref<!tpu.dma_semaphore, #tpu.memory_space<semaphore_mem>>) src(%dma_wait3A_253 : memref<50000x8xf32, #tpu.memory_space<vmem_shared>>) dst(%arg12 : memref<2560x8xf32, #tpu.memory_space<vmem>>)
      } else {
      }
      %add3A_217 = arith.constant 2 : i32
      %add3A_218 = arith.addi %add3A_208, %add3A_217 : i32
      %mul3A_219 = arith.constant 32 : i32
      %mul3A_220 = arith.muli %mul3A_219, %add3A_218 : i32
      %add3A_221 = arith.addi %add3A, %mul3A_220 : i32
      %lt3A_222 = arith.constant 2500 : i32
      %lt3A_223 = arith.cmpi slt, %add3A_221, %lt3A_222 : i32
      %convert_element_type3A_224 = arith.extui %lt3A_223 : i1 to i32
      %cond3A_225 = arith.constant 0 : i32
      %cond3A_226 = arith.cmpi ne, %convert_element_type3A_224, %cond3A_225 : i32
      scf.if %cond3A_226 {
        %add3A_251 = arith.constant 2 : i32
        %add3A_252 = arith.addi %add3A_208, %add3A_251 : i32
        %mul3A_253 = arith.constant 32 : i32
        %mul3A_254 = arith.muli %mul3A_253, %add3A_252 : i32
        %add3A_255 = arith.addi %add3A, %mul3A_254 : i32
        %mul3A_256 = arith.constant 2 : i32
        %mul3A_257 = arith.muli %add3A_255, %mul3A_256 : i32
        %mul3A_258 = arith.constant 1280 : i32
        %mul3A_259 = arith.muli %mul3A_257, %mul3A_258 : i32
        %dma_start3A_260 = tpu.memref_slice %arg3[%mul3A_259] : memref<6400000xi32, #tpu.memory_space<hbm>> -> memref<2560xi32, #tpu.memory_space<hbm>>
        %dma_start3A_261 = tpu.memref_slice %arg3[%mul3A_259] : memref<6400000xi32, #tpu.memory_space<hbm>> -> memref<2560xi32, #tpu.memory_space<hbm>>
        tpu.enqueue_dma source(%dma_start3A_261 : memref<2560xi32, #tpu.memory_space<hbm>>) target(%arg10 : memref<2560xi32, #tpu.memory_space<vmem>>) target_semaphore(%arg22 : memref<!tpu.dma_semaphore, #tpu.memory_space<semaphore_mem>>)
      } else {
      }
      %add3A_227 = arith.constant 1 : i32
      %add3A_228 = arith.addi %add3A_208, %add3A_227 : i32
      %mul3A_229 = arith.constant 32 : i32
      %mul3A_230 = arith.muli %mul3A_229, %add3A_228 : i32
      %add3A_231 = arith.addi %add3A, %mul3A_230 : i32
      %lt3A_232 = arith.constant 2500 : i32
      %lt3A_233 = arith.cmpi slt, %add3A_231, %lt3A_232 : i32
      %convert_element_type3A_234 = arith.extui %lt3A_233 : i1 to i32
      %cond3A_235 = arith.constant 0 : i32
      %cond3A_236 = arith.cmpi ne, %convert_element_type3A_234, %cond3A_235 : i32
      scf.if %cond3A_236 {
        %dma_wait3A_251 = arith.constant 0 : i32
        %dma_wait3A_252 = tpu.memref_slice %arg3[%dma_wait3A_251] : memref<6400000xi32, #tpu.memory_space<hbm>> -> memref<2560xi32, #tpu.memory_space<hbm>>
        %dma_wait3A_253 = arith.constant 0 : i32
        %dma_wait3A_254 = tpu.memref_slice %arg3[%dma_wait3A_253] : memref<6400000xi32, #tpu.memory_space<hbm>> -> memref<2560xi32, #tpu.memory_space<hbm>>
        tpu.wait_dma2 semaphore(%arg21 : memref<!tpu.dma_semaphore, #tpu.memory_space<semaphore_mem>>) src(%dma_wait3A_254 : memref<2560xi32, #tpu.memory_space<hbm>>) dst(%arg9 : memref<2560xi32, #tpu.memory_space<vmem>>)
        %dma_start3A_255 = arith.constant 0 : i32
        %dma_start3A_256 = arith.constant 0 : i32
        %dma_start3A_257 = tpu.memref_slice %arg20[%dma_start3A_255, %dma_start3A_256] : memref<50000x8xf32, #tpu.memory_space<vmem_shared>> -> memref<50000x8xf32, #tpu.memory_space<vmem_shared>>
        tpu.enqueue_indirect_dma source(%dma_start3A_257 : memref<50000x8xf32, #tpu.memory_space<vmem_shared>>) target(%arg11 : memref<2560x8xf32, #tpu.memory_space<vmem>>) offsets(%arg9 : memref<2560xi32, #tpu.memory_space<vmem>>) semaphore(%arg23 : memref<!tpu.dma_semaphore, #tpu.memory_space<semaphore_mem>>)
      } else {
      }
      %lt3A_237 = arith.constant 2500 : i32
      %lt3A_238 = arith.cmpi slt, %add3A_211, %lt3A_237 : i32
      %ge3A_239 = arith.constant 2 : i32
      %ge3A_240 = arith.cmpi sge, %add3A_208, %ge3A_239 : i32
      %and3A_241 = arith.andi %lt3A_238, %ge3A_240 : i1
      %convert_element_type3A_242 = arith.extui %and3A_241 : i1 to i32
      %cond3A_243 = arith.constant 0 : i32
      %cond3A_244 = arith.cmpi ne, %convert_element_type3A_242, %cond3A_243 : i32
      scf.if %cond3A_244 {
        %dma_wait3A_251 = arith.constant 0 : i32
        %dma_wait3A_252 = arith.constant 0 : i32
        %dma_wait3A_253 = arith.constant 0 : i32
        %dma_wait3A_254 = tpu.memref_slice %arg4[%dma_wait3A_251, %dma_wait3A_252, %dma_wait3A_253] : memref<25000x4x128xf32, #tpu.memory_space<hbm>> -> memref<10x4x128xf32, #tpu.memory_space<hbm>>
        %dma_wait3A_255 = arith.constant 0 : i32
        %dma_wait3A_256 = arith.constant 0 : i32
        %dma_wait3A_257 = arith.constant 0 : i32
        %dma_wait3A_258 = tpu.memref_slice %arg4[%dma_wait3A_255, %dma_wait3A_256, %dma_wait3A_257] : memref<25000x4x128xf32, #tpu.memory_space<hbm>> -> memref<10x4x128xf32, #tpu.memory_space<hbm>>
        tpu.wait_dma2 semaphore(%arg26 : memref<!tpu.dma_semaphore, #tpu.memory_space<semaphore_mem>>) src(%arg14 : memref<10x4x128xf32, #tpu.memory_space<vmem>>) dst(%dma_wait3A_258 : memref<10x4x128xf32, #tpu.memory_space<hbm>>)
        %dma_wait3A_259 = arith.constant 0 : i32
        %dma_wait3A_260 = tpu.memref_slice %arg5[%dma_wait3A_259] : memref<3200000xf32, #tpu.memory_space<hbm>> -> memref<1280xf32, #tpu.memory_space<hbm>>
        %dma_wait3A_261 = arith.constant 0 : i32
        %dma_wait3A_262 = tpu.memref_slice %arg5[%dma_wait3A_261] : memref<3200000xf32, #tpu.memory_space<hbm>> -> memref<1280xf32, #tpu.memory_space<hbm>>
        tpu.wait_dma2 semaphore(%arg26 : memref<!tpu.dma_semaphore, #tpu.memory_space<semaphore_mem>>) src(%arg16 : memref<1280xf32, #tpu.memory_space<vmem>>) dst(%dma_wait3A_262 : memref<1280xf32, #tpu.memory_space<hbm>>)
        %dma_wait3A_263 = arith.constant 0 : i32
        %dma_wait3A_264 = tpu.memref_slice %arg7[%dma_wait3A_263] : memref<12800000xf32, #tpu.memory_space<hbm>> -> memref<5120xf32, #tpu.memory_space<hbm>>
        %dma_wait3A_265 = arith.constant 0 : i32
        %dma_wait3A_266 = tpu.memref_slice %arg7[%dma_wait3A_265] : memref<12800000xf32, #tpu.memory_space<hbm>> -> memref<5120xf32, #tpu.memory_space<hbm>>
        tpu.wait_dma2 semaphore(%arg28 : memref<!tpu.dma_semaphore, #tpu.memory_space<semaphore_mem>>) src(%arg19 : memref<5120xf32, #tpu.memory_space<vmem>>) dst(%dma_wait3A_266 : memref<5120xf32, #tpu.memory_space<hbm>>)
        %dma_wait3A_267 = arith.constant 0 : i32
        %dma_wait3A_268 = tpu.memref_slice %arg8[%dma_wait3A_267] : memref<12800000xf32, #tpu.memory_space<hbm>> -> memref<5120xf32, #tpu.memory_space<hbm>>
        %dma_wait3A_269 = arith.constant 0 : i32
        %dma_wait3A_270 = tpu.memref_slice %arg8[%dma_wait3A_269] : memref<12800000xf32, #tpu.memory_space<hbm>> -> memref<5120xf32, #tpu.memory_space<hbm>>
        tpu.wait_dma2 semaphore(%arg28 : memref<!tpu.dma_semaphore, #tpu.memory_space<semaphore_mem>>) src(%arg19 : memref<5120xf32, #tpu.memory_space<vmem>>) dst(%dma_wait3A_270 : memref<5120xf32, #tpu.memory_space<hbm>>)
      } else {
      }
      %lt3A_245 = arith.constant 2500 : i32
      %lt3A_246 = arith.cmpi slt, %add3A_211, %lt3A_245 : i32
      %convert_element_type3A_247 = arith.extui %lt3A_246 : i1 to i32
      %cond3A_248 = arith.constant 0 : i32
      %cond3A_249 = arith.cmpi ne, %convert_element_type3A_247, %cond3A_248 : i32
      scf.if %cond3A_249 {
        %mul3A_251 = arith.constant 32 : i32
        %mul3A_252 = arith.muli %mul3A_251, %add3A_208 : i32
        %add3A_253 = arith.addi %add3A, %mul3A_252 : i32
        %mul3A_254 = arith.constant 4 : i32
        %mul3A_255 = arith.muli %add3A_253, %mul3A_254 : i32
        %mul3A_256 = arith.constant 1280 : i32
        %mul3A_257 = arith.muli %mul3A_255, %mul3A_256 : i32
        %dma_start3A_258 = tpu.memref_slice %arg7[%mul3A_257] : memref<12800000xf32, #tpu.memory_space<hbm>> -> memref<5120xf32, #tpu.memory_space<hbm>>
        %dma_start3A_259 = tpu.memref_slice %arg7[%mul3A_257] : memref<12800000xf32, #tpu.memory_space<hbm>> -> memref<5120xf32, #tpu.memory_space<hbm>>
        tpu.enqueue_dma source(%arg19 : memref<5120xf32, #tpu.memory_space<vmem>>) target(%dma_start3A_259 : memref<5120xf32, #tpu.memory_space<hbm>>) target_semaphore(%arg28 : memref<!tpu.dma_semaphore, #tpu.memory_space<semaphore_mem>>)
        %dma_start3A_260 = tpu.memref_slice %arg8[%mul3A_257] : memref<12800000xf32, #tpu.memory_space<hbm>> -> memref<5120xf32, #tpu.memory_space<hbm>>
        %dma_start3A_261 = tpu.memref_slice %arg8[%mul3A_257] : memref<12800000xf32, #tpu.memory_space<hbm>> -> memref<5120xf32, #tpu.memory_space<hbm>>
        tpu.enqueue_dma source(%arg19 : memref<5120xf32, #tpu.memory_space<vmem>>) target(%dma_start3A_261 : memref<5120xf32, #tpu.memory_space<hbm>>) target_semaphore(%arg28 : memref<!tpu.dma_semaphore, #tpu.memory_space<semaphore_mem>>)
        %scan3A_262 = arith.constant 0 : i32
        %scan3A_263 = arith.constant 0 : i32
        %scan3A_264 = arith.constant 80 : i32
        %scan3A_265 = arith.addi %scan3A_263, %scan3A_264 : i32
        %scan3A_266 = arith.constant 1 : i32
        %scan3A_267 = scf.for %scan3A_284 = %scan3A_263 to %scan3A_265 step %scan3A_266 iter_args(%scan3A_285 = %scan3A_262) -> (i32)  : i32 {
          %jit3A = arith.constant 8 : i32
          %div3A = arith.divsi %scan3A_284, %jit3A : i32
          %sign3A = arith.constant 0 : i32
          %sign3A_286 = arith.cmpi sgt, %scan3A_284, %sign3A : i32
          %sign3A_287 = arith.extui %sign3A_286 : i1 to i32
          %sign3A_288 = arith.constant 0 : i32
          %sign3A_289 = arith.cmpi slt, %scan3A_284, %sign3A_288 : i32
          %sign3A_290 = arith.extui %sign3A_289 : i1 to i32
          %sign3A_291 = arith.subi %sign3A_287, %sign3A_290 : i32
          %sign3A_292 = arith.constant 0 : i32
          %sign3A_293 = arith.cmpi sgt, %jit3A, %sign3A_292 : i32
          %sign3A_294 = arith.extui %sign3A_293 : i1 to i32
          %sign3A_295 = arith.constant 0 : i32
          %sign3A_296 = arith.cmpi slt, %jit3A, %sign3A_295 : i32
          %sign3A_297 = arith.extui %sign3A_296 : i1 to i32
          %sign3A_298 = arith.subi %sign3A_294, %sign3A_297 : i32
          %ne3A = arith.cmpi ne, %sign3A_291, %sign3A_298 : i32
          %rem3A = arith.remsi %scan3A_284, %jit3A : i32
          %ne3A_299 = arith.constant 0 : i32
          %ne3A_300 = arith.cmpi ne, %rem3A, %ne3A_299 : i32
          %and3A_301 = arith.andi %ne3A, %ne3A_300 : i1
          %sub3A = arith.constant 1 : i32
          %sub3A_302 = arith.subi %div3A, %sub3A : i32
          %select_n3A = arith.select %and3A_301, %sub3A_302, %div3A : i32
          %jit3A_303 = arith.constant 8 : i32
          %eq3A_304 = arith.constant 0 : i32
          %eq3A_305 = arith.cmpi eq, %jit3A_303, %eq3A_304 : i32
          %jit3A_306 = arith.constant 1 : i32
          %select_n3A_307 = arith.select %eq3A_305, %jit3A_306, %jit3A_303 : i32
          %rem3A_308 = arith.remsi %scan3A_284, %select_n3A_307 : i32
          %ne3A_309 = arith.constant 0 : i32
          %ne3A_310 = arith.cmpi ne, %rem3A_308, %ne3A_309 : i32
          %lt3A_311 = arith.constant 0 : i32
          %lt3A_312 = arith.cmpi slt, %rem3A_308, %lt3A_311 : i32
          %lt3A_313 = arith.constant 0 : i32
          %lt3A_314 = arith.cmpi slt, %select_n3A_307, %lt3A_313 : i32
          %ne3A_315 = arith.xori %lt3A_312, %lt3A_314 : i1
          %and3A_316 = arith.andi %ne3A_315, %ne3A_310 : i1
          %add3A_317 = arith.addi %rem3A_308, %select_n3A_307 : i32
          %select_n3A_318 = arith.select %and3A_316, %add3A_317, %rem3A_308 : i32
          %mul3A_319 = arith.constant 16 : i32
          %mul3A_320 = arith.muli %select_n3A_318, %mul3A_319 : i32
          %mul3A_321 = arith.constant 256 : i32
          %mul3A_322 = arith.muli %mul3A_321, %select_n3A : i32
          %add3A_323 = arith.addi %mul3A_322, %mul3A_320 : i32
          %add3A_324 = vector.broadcast %add3A_323 : i32 to vector<16xi32>
          %add3A_325 = arith.addi %add3A_324, %iota3A : vector<16xi32>
          %gather3A = tpu.vector_load_idx %arg12[%add3A_325, %broadcast_in_dim3A_3] : memref<2560x8xf32, #tpu.memory_space<vmem>>[vector<16xi32>, vector<16xi32>], vector<16xf32>,
          %add3A_326 = arith.constant 1 : i32
          %add3A_327 = vector.broadcast %add3A_326 : i32 to vector<16xi32>
          %add3A_328 = arith.addi %broadcast_in_dim3A_3, %add3A_327 : vector<16xi32>
          %gather3A_329 = tpu.vector_load_idx %arg12[%add3A_325, %add3A_328] : memref<2560x8xf32, #tpu.memory_space<vmem>>[vector<16xi32>, vector<16xi32>], vector<16xf32>,
          %add3A_330 = arith.constant 2 : i32
          %add3A_331 = vector.broadcast %add3A_330 : i32 to vector<16xi32>
          %add3A_332 = arith.addi %broadcast_in_dim3A_3, %add3A_331 : vector<16xi32>
          %gather3A_333 = tpu.vector_load_idx %arg12[%add3A_325, %add3A_332] : memref<2560x8xf32, #tpu.memory_space<vmem>>[vector<16xi32>, vector<16xi32>], vector<16xf32>,
          %add3A_334 = arith.constant 128 : i32
          %add3A_335 = vector.broadcast %add3A_334 : i32 to vector<16xi32>
          %add3A_336 = arith.addi %add3A_325, %add3A_335 : vector<16xi32>
          %gather3A_337 = tpu.vector_load_idx %arg12[%add3A_336, %broadcast_in_dim3A_3] : memref<2560x8xf32, #tpu.memory_space<vmem>>[vector<16xi32>, vector<16xi32>], vector<16xf32>,
          %add3A_338 = arith.constant 128 : i32
          %add3A_339 = vector.broadcast %add3A_338 : i32 to vector<16xi32>
          %add3A_340 = arith.addi %add3A_325, %add3A_339 : vector<16xi32>
          %add3A_341 = arith.constant 1 : i32
          %add3A_342 = vector.broadcast %add3A_341 : i32 to vector<16xi32>
          %add3A_343 = arith.addi %broadcast_in_dim3A_3, %add3A_342 : vector<16xi32>
          %gather3A_344 = tpu.vector_load_idx %arg12[%add3A_340, %add3A_343] : memref<2560x8xf32, #tpu.memory_space<vmem>>[vector<16xi32>, vector<16xi32>], vector<16xf32>,
          %add3A_345 = arith.constant 128 : i32
          %add3A_346 = vector.broadcast %add3A_345 : i32 to vector<16xi32>
          %add3A_347 = arith.addi %add3A_325, %add3A_346 : vector<16xi32>
          %add3A_348 = arith.constant 2 : i32
          %add3A_349 = vector.broadcast %add3A_348 : i32 to vector<16xi32>
          %add3A_350 = arith.addi %broadcast_in_dim3A_3, %add3A_349 : vector<16xi32>
          %gather3A_351 = tpu.vector_load_idx %arg12[%add3A_347, %add3A_350] : memref<2560x8xf32, #tpu.memory_space<vmem>>[vector<16xi32>, vector<16xi32>], vector<16xf32>,
          %add3A_352 = arith.constant 128 : i32
          %add3A_353 = vector.broadcast %add3A_352 : i32 to vector<16xi32>
          %add3A_354 = arith.addi %add3A_325, %add3A_353 : vector<16xi32>
          %add3A_355 = arith.constant 3 : i32
          %add3A_356 = vector.broadcast %add3A_355 : i32 to vector<16xi32>
          %add3A_357 = arith.addi %broadcast_in_dim3A_3, %add3A_356 : vector<16xi32>
          %gather3A_358 = tpu.vector_load_idx %arg12[%add3A_354, %add3A_357] : memref<2560x8xf32, #tpu.memory_space<vmem>>[vector<16xi32>, vector<16xi32>], vector<16xf32>,
          %sub3A_359 = arith.subf %gather3A, %gather3A_337 : vector<16xf32>
          %sub3A_360 = arith.subf %gather3A_329, %gather3A_344 : vector<16xf32>
          %sub3A_361 = arith.subf %gather3A_333, %gather3A_351 : vector<16xf32>
          %mul3A_362 = arith.mulf %sub3A_359, %sub3A_359 : vector<16xf32>
          %mul3A_363 = arith.mulf %sub3A_360, %sub3A_360 : vector<16xf32>
          %add3A_364 = arith.addf %mul3A_362, %mul3A_363 : vector<16xf32>
          %mul3A_365 = arith.mulf %sub3A_361, %sub3A_361 : vector<16xf32>
          %add3A_366 = arith.addf %add3A_364, %mul3A_365 : vector<16xf32>
          %gt3A = arith.constant 0.000000e+00 : f32
          %gt3A_367 = vector.broadcast %gt3A : f32 to vector<16xf32>
          %gt3A_368 = arith.cmpf ogt, %add3A_366, %gt3A_367 : vector<16xf32>
          %bitcast_convert_type3A = tpu.bitcast %add3A_366 : vector<16xf32> -> vector<16xi32>
          %shift_right_logical3A = arith.constant 1 : i32
          %shift_right_logical3A_369 = vector.broadcast %shift_right_logical3A : i32 to vector<16xi32>
          %shift_right_logical3A_370 = arith.shrui %bitcast_convert_type3A, %shift_right_logical3A_369 : vector<16xi32>
          %sub3A_371 = arith.constant 1597463007 : i32
          %sub3A_372 = vector.broadcast %sub3A_371 : i32 to vector<16xi32>
          %sub3A_373 = arith.subi %sub3A_372, %shift_right_logical3A_370 : vector<16xi32>
          %bitcast_convert_type3A_374 = tpu.bitcast %sub3A_373 : vector<16xi32> -> vector<16xf32>
          %mul3A_375 = arith.constant 5.000000e-01 : f32
          %mul3A_376 = vector.broadcast %mul3A_375 : f32 to vector<16xf32>
          %mul3A_377 = arith.mulf %mul3A_376, %add3A_366 : vector<16xf32>
          %mul3A_378 = arith.mulf %mul3A_377, %bitcast_convert_type3A_374 : vector<16xf32>
          %mul3A_379 = arith.mulf %mul3A_378, %bitcast_convert_type3A_374 : vector<16xf32>
          %sub3A_380 = arith.constant 1.500000e+00 : f32
          %sub3A_381 = vector.broadcast %sub3A_380 : f32 to vector<16xf32>
          %sub3A_382 = arith.subf %sub3A_381, %mul3A_379 : vector<16xf32>
          %mul3A_383 = arith.mulf %bitcast_convert_type3A_374, %sub3A_382 : vector<16xf32>
          %mul3A_384 = arith.constant 5.000000e-01 : f32
          %mul3A_385 = vector.broadcast %mul3A_384 : f32 to vector<16xf32>
          %mul3A_386 = arith.mulf %mul3A_385, %add3A_366 : vector<16xf32>
          %mul3A_387 = arith.mulf %mul3A_386, %mul3A_383 : vector<16xf32>
          %mul3A_388 = arith.mulf %mul3A_387, %mul3A_383 : vector<16xf32>
          %sub3A_389 = arith.constant 1.500000e+00 : f32
          %sub3A_390 = vector.broadcast %sub3A_389 : f32 to vector<16xf32>
          %sub3A_391 = arith.subf %sub3A_390, %mul3A_388 : vector<16xf32>
          %mul3A_392 = arith.mulf %mul3A_383, %sub3A_391 : vector<16xf32>
          %mul3A_393 = arith.mulf %add3A_366, %mul3A_392 : vector<16xf32>
          %jit3A_394 = arith.constant 0.000000e+00 : f32
          %broadcast_in_dim3A_395 = vector.broadcast %jit3A_394 : f32 to vector<16xf32>
          %select_n3A_396 = arith.select %gt3A_368, %mul3A_393, %broadcast_in_dim3A_395 : vector<16xi1>, vector<16xf32>
          %swap3A_397 = arith.constant 0 : i32
          %swap3A_398 = arith.index_cast %select_n3A : i32 to index
          %swap3A_399 = arith.index_cast %swap3A_397 : i32 to index
          %swap3A_400 = arith.index_cast %mul3A_320 : i32 to index
          %swap3A_401 = tpu.vector_load %arg14[%swap3A_398, %swap3A_399, %swap3A_400] {strides = array<i32>} : memref<10x4x128xf32, #tpu.memory_space<vmem>>, vector<16xf32>,
          tpu.vector_store %arg14[%swap3A_398, %swap3A_399, %swap3A_400], %sub3A_359 {strides = array<i32>} : memref<10x4x128xf32, #tpu.memory_space<vmem>>, vector<16xf32>,
          %swap3A_402 = arith.constant 1 : i32
          %swap3A_403 = arith.index_cast %select_n3A : i32 to index
          %swap3A_404 = arith.index_cast %swap3A_402 : i32 to index
          %swap3A_405 = arith.index_cast %mul3A_320 : i32 to index
          %swap3A_406 = tpu.vector_load %arg14[%swap3A_403, %swap3A_404, %swap3A_405] {strides = array<i32>} : memref<10x4x128xf32, #tpu.memory_space<vmem>>, vector<16xf32>,
          tpu.vector_store %arg14[%swap3A_403, %swap3A_404, %swap3A_405], %sub3A_360 {strides = array<i32>} : memref<10x4x128xf32, #tpu.memory_space<vmem>>, vector<16xf32>,
          %swap3A_407 = arith.constant 2 : i32
          %swap3A_408 = arith.index_cast %select_n3A : i32 to index
          %swap3A_409 = arith.index_cast %swap3A_407 : i32 to index
          %swap3A_410 = arith.index_cast %mul3A_320 : i32 to index
          %swap3A_411 = tpu.vector_load %arg14[%swap3A_408, %swap3A_409, %swap3A_410] {strides = array<i32>} : memref<10x4x128xf32, #tpu.memory_space<vmem>>, vector<16xf32>,
          tpu.vector_store %arg14[%swap3A_408, %swap3A_409, %swap3A_410], %sub3A_361 {strides = array<i32>} : memref<10x4x128xf32, #tpu.memory_space<vmem>>, vector<16xf32>,
          %mul3A_412 = arith.constant 16 : i32
          %mul3A_413 = arith.muli %scan3A_284, %mul3A_412 : i32
          %swap3A_414 = arith.index_cast %mul3A_413 : i32 to index
          %swap3A_415 = tpu.vector_load %arg16[%swap3A_414] {strides = array<i32>} : memref<1280xf32, #tpu.memory_space<vmem>>, vector<16xf32>,
          tpu.vector_store %arg16[%swap3A_414], %select_n3A_396 {strides = array<i32>} : memref<1280xf32, #tpu.memory_space<vmem>>, vector<16xf32>,
          %mul3A_416 = arith.constant 16 : i32
          %mul3A_417 = vector.broadcast %mul3A_416 : i32 to vector<16xi32>
          %mul3A_418 = arith.muli %iota3A, %mul3A_417 : vector<16xi32>
          %convert_element_type3A_419 = arith.fptosi %gather3A_358 : vector<16xf32> to vector<16xi32>
          %add3A_420 = arith.addi %mul3A_418, %convert_element_type3A_419 : vector<16xi32>
          tpu.vector_store_idx %arg17[%add3A_420], %broadcast_in_dim3A_5 {add = true} : memref<256xi32, #tpu.memory_space<vmem>>[vector<16xi32>], vector<16xi32>,
          %scan3A_421 = arith.constant 0 : i32
          scf.yield %scan3A_421 : i32
        }
        %scan3A_268 = arith.constant 80 : i32
        %mul3A_269 = arith.constant 32 : i32
        %mul3A_270 = arith.muli %mul3A_269, %add3A_208 : i32
        %add3A_271 = arith.addi %add3A, %mul3A_270 : i32
        %mul3A_272 = arith.constant 10 : i32
        %mul3A_273 = arith.muli %add3A_271, %mul3A_272 : i32
        %dma_start3A_274 = arith.constant 0 : i32
        %dma_start3A_275 = arith.constant 0 : i32
        %dma_start3A_276 = tpu.memref_slice %arg4[%mul3A_273, %dma_start3A_274, %dma_start3A_275] : memref<25000x4x128xf32, #tpu.memory_space<hbm>> -> memref<10x4x128xf32, #tpu.memory_space<hbm>>
        %dma_start3A_277 = arith.constant 0 : i32
        %dma_start3A_278 = arith.constant 0 : i32
        %dma_start3A_279 = tpu.memref_slice %arg4[%mul3A_273, %dma_start3A_277, %dma_start3A_278] : memref<25000x4x128xf32, #tpu.memory_space<hbm>> -> memref<10x4x128xf32, #tpu.memory_space<hbm>>
        tpu.enqueue_dma source(%arg14 : memref<10x4x128xf32, #tpu.memory_space<vmem>>) target(%dma_start3A_279 : memref<10x4x128xf32, #tpu.memory_space<hbm>>) target_semaphore(%arg26 : memref<!tpu.dma_semaphore, #tpu.memory_space<semaphore_mem>>)
        %mul3A_280 = arith.constant 1280 : i32
        %mul3A_281 = arith.muli %add3A_271, %mul3A_280 : i32
        %dma_start3A_282 = tpu.memref_slice %arg5[%mul3A_281] : memref<3200000xf32, #tpu.memory_space<hbm>> -> memref<1280xf32, #tpu.memory_space<hbm>>
        %dma_start3A_283 = tpu.memref_slice %arg5[%mul3A_281] : memref<3200000xf32, #tpu.memory_space<hbm>> -> memref<1280xf32, #tpu.memory_space<hbm>>
        tpu.enqueue_dma source(%arg16 : memref<1280xf32, #tpu.memory_space<vmem>>) target(%dma_start3A_283 : memref<1280xf32, #tpu.memory_space<hbm>>) target_semaphore(%arg26 : memref<!tpu.dma_semaphore, #tpu.memory_space<semaphore_mem>>)
      } else {
      }
      %scan3A_250 = arith.constant 0 : i32
      scf.yield %scan3A_250 : i32
    }
    %scan3A_72 = arith.constant 40 : i32
    %dma_wait3A_73 = arith.constant 0 : i32
    %dma_wait3A_74 = arith.constant 0 : i32
    %dma_wait3A_75 = arith.constant 0 : i32
    %dma_wait3A_76 = tpu.memref_slice %arg4[%dma_wait3A_73, %dma_wait3A_74, %dma_wait3A_75] : memref<25000x4x128xf32, #tpu.memory_space<hbm>> -> memref<10x4x128xf32, #tpu.memory_space<hbm>>
    %dma_wait3A_77 = arith.constant 0 : i32
    %dma_wait3A_78 = arith.constant 0 : i32
    %dma_wait3A_79 = arith.constant 0 : i32
    %dma_wait3A_80 = tpu.memref_slice %arg4[%dma_wait3A_77, %dma_wait3A_78, %dma_wait3A_79] : memref<25000x4x128xf32, #tpu.memory_space<hbm>> -> memref<10x4x128xf32, #tpu.memory_space<hbm>>
    tpu.wait_dma2 semaphore(%arg25 : memref<!tpu.dma_semaphore, #tpu.memory_space<semaphore_mem>>) src(%arg13 : memref<10x4x128xf32, #tpu.memory_space<vmem>>) dst(%dma_wait3A_80 : memref<10x4x128xf32, #tpu.memory_space<hbm>>)
    %dma_wait3A_81 = arith.constant 0 : i32
    %dma_wait3A_82 = tpu.memref_slice %arg5[%dma_wait3A_81] : memref<3200000xf32, #tpu.memory_space<hbm>> -> memref<1280xf32, #tpu.memory_space<hbm>>
    %dma_wait3A_83 = arith.constant 0 : i32
    %dma_wait3A_84 = tpu.memref_slice %arg5[%dma_wait3A_83] : memref<3200000xf32, #tpu.memory_space<hbm>> -> memref<1280xf32, #tpu.memory_space<hbm>>
    tpu.wait_dma2 semaphore(%arg25 : memref<!tpu.dma_semaphore, #tpu.memory_space<semaphore_mem>>) src(%arg15 : memref<1280xf32, #tpu.memory_space<vmem>>) dst(%dma_wait3A_84 : memref<1280xf32, #tpu.memory_space<hbm>>)
    %dma_wait3A_85 = arith.constant 0 : i32
    %dma_wait3A_86 = arith.constant 0 : i32
    %dma_wait3A_87 = arith.constant 0 : i32
    %dma_wait3A_88 = tpu.memref_slice %arg4[%dma_wait3A_85, %dma_wait3A_86, %dma_wait3A_87] : memref<25000x4x128xf32, #tpu.memory_space<hbm>> -> memref<10x4x128xf32, #tpu.memory_space<hbm>>
    %dma_wait3A_89 = arith.constant 0 : i32
    %dma_wait3A_90 = arith.constant 0 : i32
    %dma_wait3A_91 = arith.constant 0 : i32
    %dma_wait3A_92 = tpu.memref_slice %arg4[%dma_wait3A_89, %dma_wait3A_90, %dma_wait3A_91] : memref<25000x4x128xf32, #tpu.memory_space<hbm>> -> memref<10x4x128xf32, #tpu.memory_space<hbm>>
    tpu.wait_dma2 semaphore(%arg26 : memref<!tpu.dma_semaphore, #tpu.memory_space<semaphore_mem>>) src(%arg14 : memref<10x4x128xf32, #tpu.memory_space<vmem>>) dst(%dma_wait3A_92 : memref<10x4x128xf32, #tpu.memory_space<hbm>>)
    %dma_wait3A_93 = arith.constant 0 : i32
    %dma_wait3A_94 = tpu.memref_slice %arg5[%dma_wait3A_93] : memref<3200000xf32, #tpu.memory_space<hbm>> -> memref<1280xf32, #tpu.memory_space<hbm>>
    %dma_wait3A_95 = arith.constant 0 : i32
    %dma_wait3A_96 = tpu.memref_slice %arg5[%dma_wait3A_95] : memref<3200000xf32, #tpu.memory_space<hbm>> -> memref<1280xf32, #tpu.memory_space<hbm>>
    tpu.wait_dma2 semaphore(%arg26 : memref<!tpu.dma_semaphore, #tpu.memory_space<semaphore_mem>>) src(%arg16 : memref<1280xf32, #tpu.memory_space<vmem>>) dst(%dma_wait3A_96 : memref<1280xf32, #tpu.memory_space<hbm>>)
    %dma_wait3A_97 = arith.constant 0 : i32
    %dma_wait3A_98 = tpu.memref_slice %arg7[%dma_wait3A_97] : memref<12800000xf32, #tpu.memory_space<hbm>> -> memref<5120xf32, #tpu.memory_space<hbm>>
    %dma_wait3A_99 = arith.constant 0 : i32
    %dma_wait3A_100 = tpu.memref_slice %arg7[%dma_wait3A_99] : memref<12800000xf32, #tpu.memory_space<hbm>> -> memref<5120xf32, #tpu.memory_space<hbm>>
    tpu.wait_dma2 semaphore(%arg27 : memref<!tpu.dma_semaphore, #tpu.memory_space<semaphore_mem>>) src(%arg19 : memref<5120xf32, #tpu.memory_space<vmem>>) dst(%dma_wait3A_100 : memref<5120xf32, #tpu.memory_space<hbm>>)
    %dma_wait3A_101 = arith.constant 0 : i32
    %dma_wait3A_102 = tpu.memref_slice %arg8[%dma_wait3A_101] : memref<12800000xf32, #tpu.memory_space<hbm>> -> memref<5120xf32, #tpu.memory_space<hbm>>
    %dma_wait3A_103 = arith.constant 0 : i32
    %dma_wait3A_104 = tpu.memref_slice %arg8[%dma_wait3A_103] : memref<12800000xf32, #tpu.memory_space<hbm>> -> memref<5120xf32, #tpu.memory_space<hbm>>
    tpu.wait_dma2 semaphore(%arg27 : memref<!tpu.dma_semaphore, #tpu.memory_space<semaphore_mem>>) src(%arg19 : memref<5120xf32, #tpu.memory_space<vmem>>) dst(%dma_wait3A_104 : memref<5120xf32, #tpu.memory_space<hbm>>)
    %dma_wait3A_105 = arith.constant 0 : i32
    %dma_wait3A_106 = tpu.memref_slice %arg7[%dma_wait3A_105] : memref<12800000xf32, #tpu.memory_space<hbm>> -> memref<5120xf32, #tpu.memory_space<hbm>>
    %dma_wait3A_107 = arith.constant 0 : i32
    %dma_wait3A_108 = tpu.memref_slice %arg7[%dma_wait3A_107] : memref<12800000xf32, #tpu.memory_space<hbm>> -> memref<5120xf32, #tpu.memory_space<hbm>>
    tpu.wait_dma2 semaphore(%arg28 : memref<!tpu.dma_semaphore, #tpu.memory_space<semaphore_mem>>) src(%arg19 : memref<5120xf32, #tpu.memory_space<vmem>>) dst(%dma_wait3A_108 : memref<5120xf32, #tpu.memory_space<hbm>>)
    %dma_wait3A_109 = arith.constant 0 : i32
    %dma_wait3A_110 = tpu.memref_slice %arg8[%dma_wait3A_109] : memref<12800000xf32, #tpu.memory_space<hbm>> -> memref<5120xf32, #tpu.memory_space<hbm>>
    %dma_wait3A_111 = arith.constant 0 : i32
    %dma_wait3A_112 = tpu.memref_slice %arg8[%dma_wait3A_111] : memref<12800000xf32, #tpu.memory_space<hbm>> -> memref<5120xf32, #tpu.memory_space<hbm>>
    tpu.wait_dma2 semaphore(%arg28 : memref<!tpu.dma_semaphore, #tpu.memory_space<semaphore_mem>>) src(%arg19 : memref<5120xf32, #tpu.memory_space<vmem>>) dst(%dma_wait3A_112 : memref<5120xf32, #tpu.memory_space<hbm>>)
    %get3A = arith.constant 0 : index
    %get3A_113 = tpu.vector_load %arg17[%get3A] {strides = array<i32>} : memref<256xi32, #tpu.memory_space<vmem>>, vector<16xi32>,
    %get3A_114 = arith.constant 16 : index
    %get3A_115 = tpu.vector_load %arg17[%get3A_114] {strides = array<i32>} : memref<256xi32, #tpu.memory_space<vmem>>, vector<16xi32>,
    %add3A_116 = arith.addi %get3A_113, %get3A_115 : vector<16xi32>
    %get3A_117 = arith.constant 32 : index
    %get3A_118 = tpu.vector_load %arg17[%get3A_117] {strides = array<i32>} : memref<256xi32, #tpu.memory_space<vmem>>, vector<16xi32>,
    %add3A_119 = arith.addi %add3A_116, %get3A_118 : vector<16xi32>
    %get3A_120 = arith.constant 48 : index
    %get3A_121 = tpu.vector_load %arg17[%get3A_120] {strides = array<i32>} : memref<256xi32, #tpu.memory_space<vmem>>, vector<16xi32>,
    %add3A_122 = arith.addi %add3A_119, %get3A_121 : vector<16xi32>
    %get3A_123 = arith.constant 64 : index
    %get3A_124 = tpu.vector_load %arg17[%get3A_123] {strides = array<i32>} : memref<256xi32, #tpu.memory_space<vmem>>, vector<16xi32>,
    %add3A_125 = arith.addi %add3A_122, %get3A_124 : vector<16xi32>
    %get3A_126 = arith.constant 80 : index
    %get3A_127 = tpu.vector_load %arg17[%get3A_126] {strides = array<i32>} : memref<256xi32, #tpu.memory_space<vmem>>, vector<16xi32>,
    %add3A_128 = arith.addi %add3A_125, %get3A_127 : vector<16xi32>
    %get3A_129 = arith.constant 96 : index
    %get3A_130 = tpu.vector_load %arg17[%get3A_129] {strides = array<i32>} : memref<256xi32, #tpu.memory_space<vmem>>, vector<16xi32>,
    %add3A_131 = arith.addi %add3A_128, %get3A_130 : vector<16xi32>
    %get3A_132 = arith.constant 112 : index
    %get3A_133 = tpu.vector_load %arg17[%get3A_132] {strides = array<i32>} : memref<256xi32, #tpu.memory_space<vmem>>, vector<16xi32>,
    %add3A_134 = arith.addi %add3A_131, %get3A_133 : vector<16xi32>
    %get3A_135 = arith.constant 128 : index
    %get3A_136 = tpu.vector_load %arg17[%get3A_135] {strides = array<i32>} : memref<256xi32, #tpu.memory_space<vmem>>, vector<16xi32>,
    %add3A_137 = arith.addi %add3A_134, %get3A_136 : vector<16xi32>
    %get3A_138 = arith.constant 144 : index
    %get3A_139 = tpu.vector_load %arg17[%get3A_138] {strides = array<i32>} : memref<256xi32, #tpu.memory_space<vmem>>, vector<16xi32>,
    %add3A_140 = arith.addi %add3A_137, %get3A_139 : vector<16xi32>
    %get3A_141 = arith.constant 160 : index
    %get3A_142 = tpu.vector_load %arg17[%get3A_141] {strides = array<i32>} : memref<256xi32, #tpu.memory_space<vmem>>, vector<16xi32>,
    %add3A_143 = arith.addi %add3A_140, %get3A_142 : vector<16xi32>
    %get3A_144 = arith.constant 176 : index
    %get3A_145 = tpu.vector_load %arg17[%get3A_144] {strides = array<i32>} : memref<256xi32, #tpu.memory_space<vmem>>, vector<16xi32>,
    %add3A_146 = arith.addi %add3A_143, %get3A_145 : vector<16xi32>
    %get3A_147 = arith.constant 192 : index
    %get3A_148 = tpu.vector_load %arg17[%get3A_147] {strides = array<i32>} : memref<256xi32, #tpu.memory_space<vmem>>, vector<16xi32>,
    %add3A_149 = arith.addi %add3A_146, %get3A_148 : vector<16xi32>
    %get3A_150 = arith.constant 208 : index
    %get3A_151 = tpu.vector_load %arg17[%get3A_150] {strides = array<i32>} : memref<256xi32, #tpu.memory_space<vmem>>, vector<16xi32>,
    %add3A_152 = arith.addi %add3A_149, %get3A_151 : vector<16xi32>
    %get3A_153 = arith.constant 224 : index
    %get3A_154 = tpu.vector_load %arg17[%get3A_153] {strides = array<i32>} : memref<256xi32, #tpu.memory_space<vmem>>, vector<16xi32>,
    %add3A_155 = arith.addi %add3A_152, %get3A_154 : vector<16xi32>
    %get3A_156 = arith.constant 240 : index
    %get3A_157 = tpu.vector_load %arg17[%get3A_156] {strides = array<i32>} : memref<256xi32, #tpu.memory_space<vmem>>, vector<16xi32>,
    %add3A_158 = arith.addi %add3A_155, %get3A_157 : vector<16xi32>
    %swap3A_159 = arith.constant 0 : index
    %swap3A_160 = tpu.vector_load %arg18[%swap3A_159] {strides = array<i32>} : memref<16xi32, #tpu.memory_space<vmem>>, vector<16xi32>,
    tpu.vector_store %arg18[%swap3A_159], %add3A_158 {strides = array<i32>} : memref<16xi32, #tpu.memory_space<vmem>>, vector<16xi32>,
    "tpu.region"() ({
      %run_scoped3A = tpu.sem_alloc : memref<!tpu.dma_semaphore, #tpu.memory_space<semaphore_mem>>
      %dma_start3A_161 = arith.constant 0 : i32
      %dma_start3A_162 = tpu.memref_slice %arg6[%add3A, %dma_start3A_161] : memref<32x16xi32, #tpu.memory_space<hbm>> -> memref<1x16xi32, #tpu.memory_space<hbm>>
      %dma_start3A_163 = tpu.memref_squeeze %dma_start3A_162 : memref<1x16xi32, #tpu.memory_space<hbm>> -> memref<16xi32, #tpu.memory_space<hbm>>
      %dma_start3A_164 = arith.constant 0 : i32
      %dma_start3A_165 = tpu.memref_slice %arg6[%add3A, %dma_start3A_164] : memref<32x16xi32, #tpu.memory_space<hbm>> -> memref<1x16xi32, #tpu.memory_space<hbm>>
      %dma_start3A_166 = tpu.memref_squeeze %dma_start3A_165 : memref<1x16xi32, #tpu.memory_space<hbm>> -> memref<16xi32, #tpu.memory_space<hbm>>
      tpu.enqueue_dma source(%arg18 : memref<16xi32, #tpu.memory_space<vmem>>) target(%dma_start3A_166 : memref<16xi32, #tpu.memory_space<hbm>>) target_semaphore(%run_scoped3A : memref<!tpu.dma_semaphore, #tpu.memory_space<semaphore_mem>>)
      %dma_wait3A_167 = arith.constant 0 : i32
      %dma_wait3A_168 = tpu.memref_slice %arg6[%add3A, %dma_wait3A_167] : memref<32x16xi32, #tpu.memory_space<hbm>> -> memref<1x16xi32, #tpu.memory_space<hbm>>
      %dma_wait3A_169 = tpu.memref_squeeze %dma_wait3A_168 : memref<1x16xi32, #tpu.memory_space<hbm>> -> memref<16xi32, #tpu.memory_space<hbm>>
      %dma_wait3A_170 = arith.constant 0 : i32
      %dma_wait3A_171 = tpu.memref_slice %arg6[%add3A, %dma_wait3A_170] : memref<32x16xi32, #tpu.memory_space<hbm>> -> memref<1x16xi32, #tpu.memory_space<hbm>>
      %dma_wait3A_172 = tpu.memref_squeeze %dma_wait3A_171 : memref<1x16xi32, #tpu.memory_space<hbm>> -> memref<16xi32, #tpu.memory_space<hbm>>
      tpu.wait_dma2 semaphore(%run_scoped3A : memref<!tpu.dma_semaphore, #tpu.memory_space<semaphore_mem>>) src(%arg18 : memref<16xi32, #tpu.memory_space<vmem>>) dst(%dma_wait3A_172 : memref<16xi32, #tpu.memory_space<hbm>>)
      tpu.yield
    }) : () -> ()
    return
  }
}

</mosaic_0001>

<sc_bundles>
// kernel: _sc_call.3.cloned.1.call-start
scs
__scs_entry_jumppad:
0x0: {  	(pc) =	sbr.rel $0x88, $3  }
0x1: {  	(tag) =	ssettag $0x0;
	lr =	simm.s32 $0x1  }
0x2: {  	[smem:$0x3F9F] =	sst lr;
	_ =	strace $0xD0000000  }
0x3: {  	_ = 	snop  }
0x4: {  	_ = 	snop  }
0x5: {  	_ = 	snop  }
0x6: {  	_ = 	snop  }
0x7: {  	_ = 	snop  }
__scs_overlays_trampoline_lowered:
0x8: {  	[smem:$0x3FAE] =	sst s0  }
0x9: {  	[smem:$0x3FAF] =	sst s1  }
0xa: {  	[smem:$0x3FB0] =	sst s2  }
0xb: {  	[smem:$0x3FB1] =	sst s3  }
0xc: {  	[smem:$0x3FB2] =	sst s4  }
0xd: {  	[smem:$0x3FB3] =	sst s5  }
0xe: {  	[smem:$0x3FB4] =	sst s6  }
0xf: {  	[smem:$0x3FB5] =	sst s7  }
0x10: {  	[smem:$0x3FB6] =	sst s8  }
0x11: {  	[smem:$0x3FB7] =	sst s9;
	s0 =	simm.s32 @!p0 $0x0  }
0x12: {  	s1 =	sld [smem:$0x3F9D];
	s0 =	simm.s32 @p0 $0x1  }
0x13: {  	[smem:$0x3FB8] =	sst s0;
	s0 =	simm.s32 @!p1 $0x0  }
0x14: {  	s2 =	sld [smem:$0x3F9C];
	s0 =	simm.s32 @p1 $0x1  }
0x15: {  	[smem:$0x3FB9] =	sst s0;
	s0 =	simm.s32 @!p2 $0x0  }
0x16: {  	s3 =	sld [smem:$0x3FDB];
	s0 =	simm.s32 @p2 $0x1  }
0x17: {  	s4 =	simm.s32 $0x1BF5;
	[smem:$0x3FBB] =	sst s0  }
0x18: {  	s0 =	sld [smem:$0x3F9E];
	_ =	swait.ge [sflag:s4], $0x0  }
0x19: {  	s7 =	sld [smem:$0x3F9F]  }
0x1a: {  	s8 =	sadd.s32 $0xFFFFE003, lr  }
0x1b: {  	s9 =	sadd.s32 $0xFFFFFEF7, lr;
	s5 =	simm.s32 $0xFFFFFFFF;
	p2 =	slt.u32 s8, $0xFFFFF086  }
0x1c: {  	p1 =	slt.u32 s9, $0xF7A;
	s5 =	simm.s32 @!p2 $0x0  }
0x1d: {  	s5 =	simm.s32 @p1 $0x1;
	p0 =	seq.s32 s7, s2  }
0x1e: {  	s7 =	smul.u32 @!p0 $0xF7A, s2;
	p2 =	seq.s32 @!p0 s5, $0x0  }
0x1f: {  	s9 =	smul.u32 $0xF7A, s1;
	s8 =	simm.s32 @!p0 $0x1BF5;
	p2 =	por !p2, p0  }
0x20: {  	[sflag:s8] =	ssyncset.s32 @!p0 $0xFFFFF086;
	s6 =	sadd.s32 @!p0 s3, s7;
	s7 =	simm.s32 @!p0 $0x108  }
0x21: {  	s3 =	sadd.s32 s3, s9;
	s6 =	sadd.s32 @!p0 $0x88, s6;
	s7 =	simm.s32 @p2 $0x1082  }
0x22: {  	[simem:s7], [sflag:s8] =	dma.local @!p0 [hbm:s6], $0xF7A  }
0x23: {  	s9 =	sor.u32 $0xD0000000, s2;
	s6 =	simm.s32 $0x108;
	_ =	swait.ge @!p0 [sflag:s8], $0x0  }
0x24: {  	s3 =	sadd.s32 $0x88, s3;
	s6 =	simm.s32 @!p1 $0x1082;
	[sflag:s4] =	ssyncset.s32 $0xFFFFF086  }
0x25: {  	[simem:s6], [sflag:s4] =	dma.local [hbm:s3], $0xF7A  }
0x26: {  	[smem:$0x3F9F] =	sst s1;
	(tag) =	ssettag s2;
	_ =	strace s9  }
0x27: {  	s1 =	sld [smem:$0x3FAF]  }
0x28: {  	s2 =	sld [smem:$0x3FB0]  }
0x29: {  	s4 =	sld [smem:$0x3FB2]  }
0x2a: {  	p0 =	seq.s32 s5, $0x0;
	s5 =	sld [smem:$0x3FB3]  }
0x2b: {  	s6 =	sld [smem:$0x3FB4]  }
0x2c: {  	s7 =	sld [smem:$0x3FB5]  }
0x2d: {  	s3 =	simm.s32 $0x108;
	s8 =	sld [smem:$0x3FB6]  }
0x2e: {  	s3 =	simm.s32 @!p0 $0x1082;
	s9 =	sld [smem:$0x3FB7]  }
0x2f: {  	lr =	sadd.s32 s0, s3;
	s0 =	sld [smem:$0x3FAE]  }
0x30: {  	s3 =	sld [smem:$0x3FB1]  }
0x31: {  	[smem:$0x3FBA] =	sst s10  }
0x32: {  	s10 =	sld [smem:$0x3FB8];
	_ =	sdelay $0x3  }
0x33: {  	p0 =	seq.s32 s10, $0x1;
	s10 =	sld [smem:$0x3FBA];
	_ =	sdelay $0x3  }
0x34: {  	[smem:$0x3FBA] =	sst s10  }
0x35: {  	s10 =	sld [smem:$0x3FB9];
	_ =	sdelay $0x3  }
0x36: {  	p1 =	seq.s32 s10, $0x1;
	s10 =	sld [smem:$0x3FBA];
	_ =	sdelay $0x3  }
0x37: {  	[smem:$0x3FBA] =	sst s10  }
0x38: {  	s10 =	sld [smem:$0x3FBB]  }
0x39: {  	_ = 	snop;
	(pc) =	sbr.ind lr, $3  }
0x3a: {  	_ = 	snop  }
0x3b: {  	_ = 	snop  }
0x3c: {  	p2 =	seq.s32 s10, $0x1;
	s10 =	sld [smem:$0x3FBA]  }
0x3d: {  	_ =	shalt  }
0x3e: {  	_ =	shalt  }
0x3f: {  	_ =	shalt  }
0x40: {  	_ =	shalt  }
0x41: {  	_ =	shalt  }
0x42: {  	_ =	shalt  }
0x43: {  	_ =	shalt  }
0x44: {  	_ =	shalt  }
0x45: {  	_ =	shalt  }
0x46: {  	_ =	shalt  }
0x47: {  	_ =	shalt  }
0x48: {  	_ =	shalt  }
0x49: {  	_ =	shalt  }
0x4a: {  	_ =	shalt  }
0x4b: {  	_ =	shalt  }
0x4c: {  	_ =	shalt  }
0x4d: {  	_ =	shalt  }
0x4e: {  	_ =	shalt  }
0x4f: {  	_ =	shalt  }
0x50: {  	_ =	shalt  }
0x51: {  	_ =	shalt  }
0x52: {  	_ =	shalt  }
0x53: {  	_ =	shalt  }
0x54: {  	_ =	shalt  }
0x55: {  	_ =	shalt  }
0x56: {  	_ =	shalt  }
0x57: {  	_ =	shalt  }
0x58: {  	_ =	shalt  }
0x59: {  	_ =	shalt  }
0x5a: {  	_ =	shalt  }
0x5b: {  	_ =	shalt  }
0x5c: {  	_ =	shalt  }
0x5d: {  	_ =	shalt  }
0x5e: {  	_ =	shalt  }
0x5f: {  	_ =	shalt  }
0x60: {  	_ =	shalt  }
0x61: {  	_ =	shalt  }
0x62: {  	_ =	shalt  }
0x63: {  	_ =	shalt  }
0x64: {  	_ =	shalt  }
0x65: {  	_ =	shalt  }
0x66: {  	_ =	shalt  }
0x67: {  	_ =	shalt  }
0x68: {  	_ =	shalt  }
0x69: {  	_ =	shalt  }
0x6a: {  	_ =	shalt  }
0x6b: {  	_ =	shalt  }
0x6c: {  	_ =	shalt  }
0x6d: {  	_ =	shalt  }
0x6e: {  	_ =	shalt  }
0x6f: {  	_ =	shalt  }
0x70: {  	_ =	shalt  }
0x71: {  	_ =	shalt  }
0x72: {  	_ =	shalt  }
0x73: {  	_ =	shalt  }
0x74: {  	_ =	shalt  }
0x75: {  	_ =	shalt  }
0x76: {  	_ =	shalt  }
0x77: {  	_ =	shalt  }
0x78: {  	_ =	shalt  }
0x79: {  	_ =	shalt  }
0x7a: {  	_ =	shalt  }
0x7b: {  	_ =	shalt  }
0x7c: {  	_ =	shalt  }
0x7d: {  	_ =	shalt  }
0x7e: {  	_ =	shalt  }
0x7f: {  	_ =	shalt  }
0x80: {  	_ =	shalt  }
0x81: {  	_ =	shalt  }
0x82: {  	_ =	shalt  }
0x83: {  	_ =	shalt  }
0x84: {  	_ =	shalt  }
0x85: {  	_ =	shalt  }
0x86: {  	_ =	shalt  }
0x87: {  	_ =	shalt  }
.Lfunc_end0:
.L_simem_size_0:
called_computation_lowered:
.L_overlay_start_0:
0x88: {  	s2 =	sld [smem:$0x3FD9]  }
0x89: {  	s3 =	sld [smem:$0x3FFE];
	_ =	sdelay $0x1  }
0x8a: {  	s1 =	srdreg.scid  }
0x8b: {  	s0 =	sand.u32 $0x1, s1  }
0x8c: {  	s14 =	sshll.u32 s0, $0xA;
	s2 =	sadd.s32 s3, s2  }
0x8d: {  	s2 =	sadd.s32 s2, s14  }
0x8e: {  	[smem:$0x3FC6] =	sst s2  }
0x8f: {  	_ = 	snop  }
0x90: {  	s2 =	sld [smem:$0x3FD0];
	_ =	sdelay $0x2  }
0x91: {  	s4 =	simm.s32 $0xA;
	s5 =	simm.s32 $0x10;
	s15 =	sld [smem:$0x3FC8]  }
0x92: {  	[smem:s5], [sflag:s4] =	dma.local [hbm:s2], $0x1  }
0x93: {  	_ =	swait.eq [sflag:s4], $0x1  }
0x94: {  	s16 =	sld [smem:$0x10]  }
0x95: {  	s17 =	sld [smem:$0x11]  }
0x96: {  	s6 =	sld [smem:$0x12];
	[sflag:s4] =	ssyncset.done $0x0  }
0x97: {  	s7 =	sld [smem:$0x13];
	[sflag:s4] =	ssyncadd.s32 $0xFFFFFFFF  }
0x98: {  	s18 =	sld [smem:$0x14];
	(tm) =	ssettm $0x1  }
0x99: {  	s8 =	sld [smem:$0x3FFB];
	_ =	sdelay $0x3  }
0x9a: {  	_ =	strace s8  }
0x9b: {  	s8 =	sld [smem:$0x3FFC];
	_ =	sdelay $0x3  }
0x9c: {  	_ =	strace s8  }
0x9d: {  	s8 =	sld [smem:$0x3FFD];
	_ =	sdelay $0x3  }
0x9e: {  	_ =	strace s8  }
0x9f: {  	_ =	strace $0x8FFFFFFF  }
0xa0: {  	s19 =	sld [smem:$0x3FDB];
	_ =	sdelay $0x1  }
0xa1: {  	s9 =	simm.s32 $_scs_section_size  }
0xa2: {  	s10 =	simm.s32 $_size__tile_overlayer_lowered;
	s11 =	simm.s32 $_tile_overlayer_lowered  }
0xa3: {  	s22 =	simm.s32 $0x1BFF;
	s21 =	sshll.u32 s11, $0x1;
	s8 =	sadd.s32 s9, s19  }
0xa4: {  	s12 =	simm.s32 $0x0;
	s20 =	sshll.u32 s10, $0x1;
	s10 =	sadd.s32 s21, s8  }
0xa5: {  	[timem:s12], [sflag:s22] =	dma.local [hbm:s10], s20  }
0xa6: {  	_ =	swait.ge [sflag:s22], s20  }
0xa7: {  	s9 =	ssub.s32 $0x0, s20;
	[sflag:s22] =	ssyncset.done $0x0  }
0xa8: {  	[sflag:s22] =	ssyncadd.s32 s9;
	_ =	sdelay $0x1  }
0xa9: {  	s23 =	simm.s32 $0x1B8B  }
0xaa: {  	_ =	swait.ge [sflag:s23], $0x1  }
0xab: {  	[sflag:s23] =	ssyncset.done $0x0  }
0xac: {  	s25 =	simm.s32 $0x1B8E;
	s24 =	sld [smem:$0x3FFE];
	[sflag:s23] =	ssyncadd.s32 $0xFFFFFFFF  }
0xad: {  	s26 =	simm.s32 $execute0_lowered;
	[smem:$0x3FD2] =	sst s25  }
0xae: {  	s10 =	sshll.u32 s26, $0x1;
	_ =	strace $0x80000046;
	[dreg:$0x1] =	wrdreg $0xFFFFFFFF  }
0xaf: {  	s28 =	simm.s32 $_size_execute0_lowered;
	s8 =	sadd.s32 s8, s10;
	[dreg:$0x0] =	wrdreg $0x0  }
0xb0: {  	s10 =	sshll.u32 s28, $0x1;
	[dreg:$0x2] =	wrdreg s8  }
0xb1: {  	[dreg:$0x3] =	wrdreg s10  }
0xb2: {  	[dreg:$0x4] =	wrdreg $0xC0  }
0xb3: {  	_ =	task [dreg:s12], $0x5FFFF  }
0xb4: {  	[dreg:$0x1] =	wrdreg $0xFFFFFFFF  }
0xb5: {  	[dreg:$0x0] =	wrdreg $0x60  }
0xb6: {  	[dreg:$0x2] =	wrdreg s24  }
0xb7: {  	[dreg:$0x3] =	wrdreg s15  }
0xb8: {  	[dreg:$0x4] =	wrdreg s16  }
0xb9: {  	[dreg:$0x5] =	wrdreg s17  }
0xba: {  	[dreg:$0x6] =	wrdreg s6  }
0xbb: {  	[dreg:$0x7] =	wrdreg s7  }
0xbc: {  	[dreg:$0x8] =	wrdreg s18  }
0xbd: {  	[dreg:$0x9] =	wrdreg $0xFB100  }
0xbe: {  	[dreg:$0xa] =	wrdreg $0x9  }
0xbf: {  	_ =	task.clear_ibuf [dreg:s12], $0xBFFFF;
	_ =	strace $0x90000046  }
0xc0: {  	s29 =	simm.s32 $0x9;
	_ =	strace $0x80000048  }
0xc1: {  	_ =	swait.ge [sflag:s29], $0x1  }
0xc2: {  	[sflag:s29] =	ssyncadd.s32 $0xFFFFFFFF  }
0xc3: {  	_ =	strace $0x90000048  }
0xc4: {  	_ =	sfence  }
0xc5: {  	s30 =	sld [smem:$0x0];
	_ =	sdelay $0x2  }
0xc6: {  	s31 =	sshll.u32 s1, $0xD;
	s1 =	sshrl.u32 s1, $0x2  }
0xc7: {  	s3 =	sand.u32 $0x4000, s31;
	s1 =	sadd.s32 s1, s30  }
0xc8: {  	s0 =	sor.u32 s3, s0;
	s1 =	sshll.u32 s1, $0x11  }
0xc9: {  	s0 =	sor.u32 s1, s0  }
0xca: {  	s0 =	sadd.s32 $0x8F2B, s0  }
0xcb: {  	[sflag:s0] =	ssyncadd.remote.s32 $0x1  }
0xcc: {  	_ =	sfence.sel $0xFFFF  }
0xcd: {  	[dreg:$0x0] =	wrdreg $0xFFFFFFFF;
	(pc) =	sbr.abs _section_cstart, $3  }
0xce: {  	[dreg:$0x1] =	wrdreg $0xFFFFFFFF  }
0xcf: {  	_ =	task.clear_ibuf [dreg:s12], $0x2FFFF;
	_ =	strace $0x9FFFFFFF  }
0xd0: {  	(tm) =	ssettm $0x7FFFFFFF  }
0xd1: {  	_ =	shalt  }
tec
execute0_lowered:
.L_overlay_start_1:
0x0: {  	(tag) =	ssettag $0x1  }
0x1: {  	s5 =	rddreg [dreg:$0x0]  }
0x2: {  	s0 =	rddreg [dreg:$0x1]  }
0x3: {  	s1 =	rddreg [dreg:$0x2]  }
0x4: {  	s2 =	rddreg [dreg:$0x3]  }
0x5: {  	s9 =	rddreg [dreg:$0x4]  }
0x6: {  	s3 =	rddreg [dreg:$0x5]  }
0x7: {  	s4 =	rddreg [dreg:$0x6];
	s7 =	srdreg.scid  }
0x8: {  	s10 =	stileid.u32;
	s6 =	rddreg [dreg:$0x7]  }
0x9: {  	s19 =	simm.s32 $0x1400;
	s20 =	simm.s32 $0x5;
	s21 =	simm.s32 $0x7  }
0xa: {  	s22 =	simm.s32 $0xE710;
	s23 =	simm.s32 $0xE600;
	s28 =	simm.s32 $0x8  }
0xb: {  	s29 =	simm.s32 $0x6400;
	s11 =	sand.u32 $0x1, s7;
	s8 =	sshll.u32 s10, $0x1  }
0xc: {  	s7 =	simm.s32 $0x0;
	s5 =	sadd.s32 $0x800, s5;
	p0 =	sne.s32 s10, $0x0  }
0xd: {  	s10 =	simm.s32 $0x0;
	s8 =	sor.u32 s11, s8;
	[smem:$0x7FF] =	sst s7  }
0xe: {  	s11 =	ssub.s32 $0x2, s11;
	s12 =	smul.u32 $0xA00, s8;
	_ =	strace $0x80000047  }
0xf: {  	s13 =	smul.u32 $0x140, s8;
	s25 =	sshrl.u32 s11, $0x1;
	s31 =	sshll.u32 s8, $0x1  }
0x10: {  	[dreg:$0x9] =	wrdreg s5;
	s5 =	ssub.s32 s11, s25;
	s9 =	sadd.s32 s9, s31  }
.Ltmp0:
0x11: {  	s26 =	sadd.s32 s0, s13;
	[dreg:$0xc] =	wrdreg s9;
	(pc) =	sbr.rel .LBB2_1-.Ltmp0, $4  }
0x12: {  	v5 =	vlaneseq.u32;
	s12 =	sshrl.u32 s12, $0x3;
	s5 =	smax.u32 s5, $0x1;
	[dreg:$0xa] =	wrdreg s26  }
0x13: {  	v0 =	vmul.u32 $0x8, v5;
	s12 =	sadd.s32 s0, s12;
	[dreg:$0xd] =	wrdreg s5;
	s5 =	sshrl.u32 @!p0 s6, $0x3  }
0x14: {  	v1 =	vimm.s32 $0x0;
	v2 =	vimm.f32 $0.0e+00;
	s13 =	sor.u32 $0x60, s8;
	s30 =	sadd.s32 $0x2800, s12;
	[dreg:$0xe] =	wrdreg s5  }
0x15: {  	v4 =	vimm.s32 $0x1;
	v5 =	vmul.u32 $0x10, v5;
	v3 =	vor.u32 $0x400, v0;
	s26 =	simm.s32 $0x6;
	s12 =	sor.u32 $0x40, s8;
	[dreg:$0xb] =	wrdreg s30  }
.LBB2_17:
0x16: {  	_ =	swait.ge [sflag:s20], $0x1400  }
0x17: {  	[sflag:s20] =	ssyncset.done $0x0  }
0x18: {  	[sflag:s20] =	ssyncadd.s32 $0xFFFFEC00  }
0x19: {  	_ =	swait.ge [sflag:s20], $0x500  }
0x1a: {  	[sflag:s20] =	ssyncset.done $0x0  }
0x1b: {  	[sflag:s20] =	ssyncadd.s32 $0xFFFFFB00  }
0x1c: {  	_ =	swait.ge [sflag:s26], $0x1400  }
0x1d: {  	[sflag:s26] =	ssyncset.done $0x0  }
0x1e: {  	[sflag:s26] =	ssyncadd.s32 $0xFFFFEC00  }
0x1f: {  	_ =	swait.ge [sflag:s26], $0x500  }
0x20: {  	[sflag:s26] =	ssyncset.done $0x0  }
0x21: {  	[sflag:s26] =	ssyncadd.s32 $0xFFFFFB00  }
0x22: {  	_ =	swait.ge [sflag:s21], $0x1400  }
0x23: {  	[sflag:s21] =	ssyncset.done $0x0  }
0x24: {  	[sflag:s21] =	ssyncadd.s32 $0xFFFFEC00  }
0x25: {  	_ =	swait.ge [sflag:s21], $0x1400  }
0x26: {  	[sflag:s21] =	ssyncset.done $0x0  }
0x27: {  	[sflag:s21] =	ssyncadd.s32 $0xFFFFEC00  }
0x28: {  	_ =	swait.ge [sflag:s28], $0x1400  }
0x29: {  	[sflag:s28] =	ssyncset.done $0x0  }
0x2a: {  	[sflag:s28] =	ssyncadd.s32 $0xFFFFEC00  }
0x2b: {  	_ =	swait.ge [sflag:s28], $0x1400  }
0x2c: {  	[sflag:s28] =	ssyncset.done $0x0  }
0x2d: {  	[sflag:s28] =	ssyncadd.s32 $0xFFFFEC00  }
0x2e: {  	v6 =	vld [tilespmem:$0xE600]  }
0x2f: {  	v7 =	vld [tilespmem:$0xE610]  }
0x30: {  	v8 =	vld [tilespmem:$0xE620]  }
0x31: {  	v9 =	vld [tilespmem:$0xE630]  }
0x32: {  	v10 =	vld [tilespmem:$0xE640]  }
0x33: {  	v11 =	vld [tilespmem:$0xE650]  }
0x34: {  	v6 =	vadd.s32 v6, v7;
	v7 =	vld [tilespmem:$0xE660]  }
0x35: {  	v56 =	vld [tilespmem:$0xE670];
	v6 =	vadd.s32 v8, v6  }
0x36: {  	v57 =	vld [tilespmem:$0xE680];
	v6 =	vadd.s32 v9, v6  }
0x37: {  	v58 =	vld [tilespmem:$0xE690];
	v6 =	vadd.s32 v10, v6  }
0x38: {  	v59 =	vld [tilespmem:$0xE6A0];
	v6 =	vadd.s32 v11, v6  }
0x39: {  	v6 =	vadd.s32 v7, v6;
	v7 =	vld [tilespmem:$0xE6B0]  }
0x3a: {  	v60 =	vld [tilespmem:$0xE6C0];
	v6 =	vadd.s32 v56, v6  }
0x3b: {  	v61 =	vld [tilespmem:$0xE6D0];
	v6 =	vadd.s32 v57, v6  }
0x3c: {  	v62 =	vld [tilespmem:$0xE6E0];
	v6 =	vadd.s32 v58, v6  }
0x3d: {  	v63 =	vld [tilespmem:$0xE6F0];
	v6 =	vadd.s32 v59, v6  }
0x3e: {  	v6 =	vadd.s32 v7, v6  }
0x3f: {  	v6 =	vadd.s32 v60, v6  }
0x40: {  	v6 =	vadd.s32 v61, v6  }
0x41: {  	v6 =	vadd.s32 v62, v6  }
0x42: {  	v6 =	vadd.s32 v63, v6  }
0x43: {  	s9 =	simm.s32 $0xE700;
	s30 =	simm.s32 $0x9;
	s5 =	rddreg [dreg:$0xc];
	[tilespmem:$0xE700] =	vst v6  }
0x44: {  	[hbm4b:s5+s7] =	stream.linear.scatter [tilespmem:s9], [sflag:$0x9], $0x10, $0x38;
	[tilespmem:$0x15CB8] =	vst v63  }
0x45: {  	_ =	swait.ge [sflag:s30], $0x10  }
0x46: {  	s10 =	rddreg [dreg:$0xf]  }
0x47: {  	s31 =	rddreg [dreg:$0xd];
	s10 =	sadd.s32 $0x1, s10  }
0x48: {  	p1 =	sne.s32 s10, s31  }
.Ltmp1:
0x49: {  	_ = 	snop;
	(pc) =	sbr.rel @!p1 .LBB2_18-.Ltmp1, $3  }
0x4a: {  	_ =	sdelay $0x1  }
0x4b: {  	[sflag:s30] =	ssyncset.done $0x0  }
0x4c: {  	[sflag:s30] =	ssyncadd.s32 $0xFFFFFFF0  }
.LBB2_1:
0x4d: {  	[dreg:$0xf] =	wrdreg s10  }
0x4e: {  	s9 =	rddreg [dreg:$0x9]  }
0x4f: {  	s5 =	simm.s32 @!p0 $0x1C09;
	s10 =	rddreg [dreg:$0xe]  }
0x50: {  	[spmem:s10], [sflag:s5] =	dma.local @!p0 [hbm:s9], $0xC350  }
0x51: {  	s5 =	simm.s32 @!p0 $0x9  }
0x52: {  	_ =	swait.ge @!p0 [sflag:s5], $0xC350  }
0x53: {  	[sflag:s5] =	ssyncset.done @!p0 $0x0  }
0x54: {  	[sflag:s5] =	ssyncadd.s32 @!p0 $0xFFFF3CB0  }
0x55: {  	[bflag:$0x0] =	sbarrier.arrive $0xFFFF  }
0x56: {  	[tilespmem:$0xE600] =	vst v1  }
0x57: {  	[tilespmem:$0xE610] =	vst v1  }
0x58: {  	[tilespmem:$0xE620] =	vst v1  }
0x59: {  	[tilespmem:$0xE630] =	vst v1  }
0x5a: {  	[tilespmem:$0xE640] =	vst v1  }
0x5b: {  	[tilespmem:$0xE650] =	vst v1  }
0x5c: {  	[tilespmem:$0xE660] =	vst v1  }
0x5d: {  	[tilespmem:$0xE670] =	vst v1  }
0x5e: {  	[tilespmem:$0xE680] =	vst v1  }
0x5f: {  	[tilespmem:$0xE690] =	vst v1  }
0x60: {  	[tilespmem:$0xE6A0] =	vst v1  }
0x61: {  	[tilespmem:$0xE6B0] =	vst v1  }
0x62: {  	[tilespmem:$0xE6C0] =	vst v1  }
0x63: {  	[tilespmem:$0xE6D0] =	vst v1  }
0x64: {  	[tilespmem:$0xE6E0] =	vst v1  }
0x65: {  	s9 =	simm.s32 $0x0;
	s5 =	simm.s32 $0x40;
	[tilespmem:$0xE6F0] =	vst v1  }
.LBB2_2:
0x66: {  	p1 =	sne.s32 s5, $0x4FC0;
	[tilespmem:s9+$0xE710] =	vst v2;
	s9 =	smov.u32 s5;
	s5 =	sadd.s32 $0x40, s5  }
.Ltmp2:
0x67: {  	(pc) =	sbr.rel @p1 .LBB2_2-.Ltmp2, $2  }
0x68: {  	_ =	sdelay $0x2  }
0x69: {  	s9 =	sshra.s32 s9, $0x2  }
0x6a: {  	[tilespmem:s9+$0xE710] =	vst v2;
	s17 =	simm.s32 $0x0;
	s5 =	rddreg [dreg:$0xa]  }
0x6b: {  	[tilespmem:s17], [sflag:$0x1] =	stream.linear.gather [hbm4b:s5+s17], $0xA00, $0x38;
	[tilespmem:$0x15CB8] =	vst v63  }
0x6c: {  	s25 =	rddreg [dreg:$0xb];
	s30 =	simm.s32 $0xA00  }
0x6d: {  	[tilespmem:s30], [sflag:$0x2] =	stream.linear.gather [hbm4b:s25+s17], $0xA00, $0x38;
	[tilespmem:$0x15CB8] =	vst v63  }
.Ltmp3:
0x6e: {  	s31 =	simm.s32 $0x1;
	(pc) =	sbr.rel .LBB2_4-.Ltmp3, $4  }
0x6f: {  	_ =	swait.ge [sflag:s31], $0xA00  }
0x70: {  	[sflag:s31] =	ssyncset.done $0x0  }
0x71: {  	[sflag:s31] =	ssyncadd.s32 $0xFFFFF600  }
0x72: {  	[tilespmem:s19], [sflag:$0x3] =	stream.indirect.gather [spmem:s6], $0x8, s17, s30, $0xb8;
	[tilespmem:$0x15CB8] =	vst v63  }
.LBB2_16:
0x73: {  	s17 =	sadd.s32 $0x1, s17  }
0x74: {  	p1 =	sne.s32 s17, $0x28  }
.Ltmp4:
0x75: {  	_ = 	snop;
	(pc) =	sbr.rel @!p1 .LBB2_17-.Ltmp4, $1  }
0x76: {  	_ =	sdelay $0x3  }
.LBB2_4:
0x77: {  	s11 =	sshll.u32 s17, $0x6  }
0x78: {  	s14 =	sor.u32 s8, s11  }
0x79: {  	p3 =	seq.s32 s17, $0x0;
	s5 =	sadd.s32 s12, s11;
	p4 =	sgt.u32 s14, $0x9C3  }
0x7a: {  	p1 =	sgt.u32 s5, $0x9C3;
	s10 =	sor.u32 $0x20, s14;
	s9 =	simm.s32 @!p4 $0x3  }
0x7b: {  	p5 =	sgt.u32 @!p3 s14, $0x9C3;
	s5 =	smul.u32 @!p1 $0x140, s5;
	_ =	swait.ge @!p4 [sflag:s9], $0x5000  }
0x7c: {  	p2 =	sgt.u32 s10, $0x9C3;
	p5 =	por p3, p5;
	[sflag:s9] =	ssyncset.done @!p4 $0x0  }
0x7d: {  	s5 =	sadd.s32 @!p1 s0, s5;
	[sflag:s9] =	ssyncadd.s32 @!p4 $0xFFFFB000;
	s9 =	simm.s32 @!p1 $0x0  }
0x7e: {  	[tilespmem:s9], [sflag:$0x1] =	stream.linear.gather @!p1 [hbm4b:s5+s9], $0xA00, $0x38;
	[tilespmem:$0x15CB8] =	vst v63  }
.Ltmp5:
0x7f: {  	s5 =	simm.s32 @!p2 $0x2;
	(pc) =	sbr.rel @p5 .LBB2_6-.Ltmp5, $4  }
0x80: {  	_ =	swait.ge @!p2 [sflag:s5], $0xA00  }
0x81: {  	[sflag:s5] =	ssyncset.done @!p2 $0x0  }
0x82: {  	s9 =	simm.s32 @!p2 $0x6400;
	[sflag:s5] =	ssyncadd.s32 @!p2 $0xFFFFF600;
	s5 =	simm.s32 @!p2 $0xA00  }
0x83: {  	[tilespmem:s9], [sflag:$0x4] =	stream.indirect.gather @!p2 [spmem:s6], $0x8, s5, s5, $0xb8;
	[tilespmem:$0x15CB8] =	vst v63  }
0x84: {  	_ =	swait.ge [sflag:s20], $0x1400  }
0x85: {  	[sflag:s20] =	ssyncset.done $0x0  }
0x86: {  	[sflag:s20] =	ssyncadd.s32 $0xFFFFEC00  }
0x87: {  	_ =	swait.ge [sflag:s20], $0x500  }
0x88: {  	[sflag:s20] =	ssyncset.done $0x0  }
0x89: {  	[sflag:s20] =	ssyncadd.s32 $0xFFFFFB00  }
0x8a: {  	_ =	swait.ge [sflag:s21], $0x1400  }
0x8b: {  	[sflag:s21] =	ssyncset.done $0x0  }
0x8c: {  	[sflag:s21] =	ssyncadd.s32 $0xFFFFEC00  }
0x8d: {  	_ =	swait.ge [sflag:s21], $0x1400  }
0x8e: {  	[sflag:s21] =	ssyncset.done $0x0  }
0x8f: {  	[sflag:s21] =	ssyncadd.s32 $0xFFFFEC00  }
.LBB2_7:
0x90: {  	s5 =	simm.s32 $0x0;
	s9 =	simm.s32 $0x0  }
0x91: {  	s16 =	sand.u32 $0x70, s5;
	s9 =	sand.u32 $0xFFFFFF00, s9  }
0x92: {  	s9 =	sor.u32 s16, s9  }
0x93: {  	v6 =	vmov s9  }
0x94: {  	s15 =	smul.u32 $0x280, s14;
	v6 =	vshll.u32 v6, $0x3  }
0x95: {  	v7 =	vor.u32 v0, v6  }
0x96: {  	s25 =	sadd.s32 s3, s15;
	v8 =	vor.u32 v3, v6  }
0x97: {  	[hbm4b:s25+s5] =	stream.linear.scatter [tilespmem:s22], [sflag:$0x7], $0x1400, $0x38;
	v6 =	vor.u32 $0x1, v7;
	[tilespmem:$0x15CB8] =	vst v63  }
0x98: {  	s30 =	sadd.s32 s4, s15;
	v9 =	vor.u32 $0x1, v8  }
0x99: {  	[hbm4b:s30+s5] =	stream.linear.scatter [tilespmem:s22], [sflag:$0x7], $0x1400, $0x38;
	v10 =	vor.u32 $0x2, v8;
	[tilespmem:$0x15CB8] =	vst v63  }
0x9a: {  	v11 =	vld.idx.msk [tilespmem:v7+s19+$0x0], $0xffff;
	v7 =	vor.u32 $0x2, v7  }
0x9b: {  	v12 =	vld.idx.msk [tilespmem:v8+s19+$0x0], $0xffff  }
0x9c: {  	v6 =	vld.idx.msk [tilespmem:v6+s19+$0x0], $0xffff  }
0x9d: {  	v9 =	vld.idx.msk [tilespmem:v9+s19+$0x0], $0xffff  }
0x9e: {  	v10 =	vld.idx.msk [tilespmem:v10+s19+$0x0], $0xffff  }
0x9f: {  	v7 =	vld.idx.msk [tilespmem:v7+s19+$0x0], $0xffff;
	_ =	sdelay $0x2  }
0xa0: {  	v11 =	vsub.f32 v11, v12;
	v9 =	vsub.f32 v6, v9;
	_ =	sdelay $0x1  }
0xa1: {  	v6 =	vmul.f32 v11, v11;
	v10 =	vsub.f32 v7, v10;
	v7 =	vmul.f32 v9, v9;
	_ =	sdelay $0x1  }
0xa2: {  	v6 =	vadd.f32 v7, v6;
	v7 =	vmul.f32 v10, v10;
	_ =	sdelay $0x1  }
0xa3: {  	v6 =	vadd.f32 v7, v6;
	_ =	sdelay $0x1  }
0xa4: {  	v7 =	vshrl.u32 v6, $0x1;
	v12 =	vmul.f32 $5.000000000e-01, v6  }
0xa5: {  	v7 =	vsub.s32 $0x5F3759DF, v7  }
0xa6: {  	v13 =	vmul.f32 v7, v12  }
0xa7: {  	v8 =	vor.u32 $0x3, v8  }
0xa8: {  	v13 =	vmul.f32 v7, v13;
	_ =	sdelay $0x1  }
0xa9: {  	v13 =	vsub.f32 $1.500000000e+00, v13;
	_ =	sdelay $0x1  }
0xaa: {  	v13 =	vmul.f32 v7, v13;
	v7 =	vld.idx.msk [tilespmem:v8+s19+$0x0], $0xffff  }
0xab: {  	s31 =	simm.s32 $0x20;
	s9 =	simm.s32 $0x10  }
0xac: {  	s24 =	simm.s32 $0x0;
	s18 =	sand.u32 $0x70, s9;
	s5 =	sand.u32 $0xFFFFFF00, s31;
	v8 =	vmul.f32 v13, v12  }
0xad: {  	s24 =	sand.u32 $0x3FFFFE00, s24;
	s5 =	sor.u32 s18, s5  }
0xae: {  	s25 =	sor.u32 s16, s24;
	v12 =	vmov s5;
	v8 =	vmul.f32 v8, v13  }
0xaf: {  	[tilespmem:s25+$0xB400] =	vst v11;
	v11 =	vshll.u32 v12, $0x3;
	v7 =	vtrunc.f32 v7  }
0xb0: {  	v14 =	vsub.f32 $1.500000000e+00, v8;
	v15 =	vcvt.f32.s32 v7;
	v8 =	vor.u32 v0, v11  }
0xb1: {  	s16 =	simm.s32 $0xDC00;
	[tilespmem:s25+$0xB500] =	vst v10;
	v7 =	vor.u32 v3, v11;
	v10 =	vor.u32 $0x1, v8  }
0xb2: {  	s24 =	simm.s32 $0x2;
	[tilespmem:s25+$0xB480] =	vst v9;
	s25 =	simm.s32 $0xDC00;
	s5 =	simm.s32 $0x1;
	v9 =	vor.u32 $0x1, v7;
	v12 =	vmul.f32 v14, v13;
	v11 =	vadd.s32 v5, v15  }
.LBB2_8:
0xb3: {  	p4 =	sne.s32 s24, $0x4F  }
0xb4: {  	v13 =	vor.u32 $0x2, v7;
	v12 =	vmul.f32 v12, v6;
	s16 =	sadd.s32 $0x10, s16;
	s30 =	smov.u32 s24;
	s24 =	sadd.s32 $0x1, s24  }
0xb5: {  	vm0 =	vgt.f32 v6, $0.0e+00  }
0xb6: {  	v6 =	vnsel vm0, $0x0, v12  }
0xb7: {  	[tilespmem:s25+$0x0] =	vst v6;
	s25 =	smov.u32 s16  }
0xb8: {  	[tilespmem:v11+s23+$0x0] =	vst.idx.add.s32.msk $0xffff, v4  }
0xb9: {  	v6 =	vld.idx.msk [tilespmem:v8+s19+$0x0], $0xffff;
	v8 =	vor.u32 $0x2, v8  }
0xba: {  	v11 =	vld.idx.msk [tilespmem:v7+s19+$0x0], $0xffff  }
0xbb: {  	v10 =	vld.idx.msk [tilespmem:v10+s19+$0x0], $0xffff  }
0xbc: {  	v9 =	vld.idx.msk [tilespmem:v9+s19+$0x0], $0xffff  }
0xbd: {  	v12 =	vld.idx.msk [tilespmem:v13+s19+$0x0], $0xffff  }
0xbe: {  	v8 =	vld.idx.msk [tilespmem:v8+s19+$0x0], $0xffff;
	_ =	sdelay $0x1  }
0xbf: {  	v11 =	vsub.f32 v6, v11;
	_ =	sdelay $0x1  }
0xc0: {  	v9 =	vsub.f32 v10, v9;
	_ =	sdelay $0x1  }
0xc1: {  	v6 =	vmul.f32 v11, v11;
	v8 =	vsub.f32 v8, v12;
	v10 =	vmul.f32 v9, v9;
	_ =	sdelay $0x1  }
0xc2: {  	v6 =	vadd.f32 v10, v6;
	v10 =	vmul.f32 v8, v8;
	_ =	sdelay $0x1  }
0xc3: {  	v6 =	vadd.f32 v10, v6;
	_ =	sdelay $0x1  }
0xc4: {  	v10 =	vshrl.u32 v6, $0x1;
	v12 =	vmul.f32 $5.000000000e-01, v6  }
0xc5: {  	v10 =	vsub.s32 $0x5F3759DF, v10  }
0xc6: {  	v13 =	vmul.f32 v10, v12  }
0xc7: {  	v7 =	vor.u32 $0x3, v7  }
0xc8: {  	v13 =	vmul.f32 v10, v13;
	_ =	sdelay $0x1  }
0xc9: {  	s31 =	sshll.u32 s5, $0x6;
	s5 =	smov.u32 s30;
	v13 =	vsub.f32 $1.500000000e+00, v13  }
0xca: {  	s30 =	sand.u32 $0x3FFFFE00, s31  }
0xcb: {  	s18 =	sor.u32 s18, s30;
	v10 =	vmul.f32 v10, v13;
	v7 =	vld.idx.msk [tilespmem:v7+s19+$0x0], $0xffff  }
0xcc: {  	[tilespmem:s18+$0xB400] =	vst v11  }
0xcd: {  	v11 =	vmul.f32 v10, v12;
	[tilespmem:s18+$0xB480] =	vst v9  }
0xce: {  	s9 =	sadd.s32 $0x10, s9;
	s30 =	sshll.u32 s5, $0x5;
	[tilespmem:s18+$0xB500] =	vst v8  }
0xcf: {  	s30 =	sand.u32 $0xFFFFFF00, s30;
	s18 =	sand.u32 $0x70, s9;
	v8 =	vmul.f32 v11, v10  }
.Ltmp6:
0xd0: {  	s30 =	sor.u32 s18, s30;
	(pc) =	sbr.rel @p4 .LBB2_8-.Ltmp6, $4  }
0xd1: {  	v9 =	vmov s30;
	v11 =	vsub.f32 $1.500000000e+00, v8;
	v7 =	vtrunc.f32 v7  }
0xd2: {  	v9 =	vshll.u32 v9, $0x3;
	v13 =	vcvt.f32.s32 v7  }
0xd3: {  	v8 =	vor.u32 v0, v9;
	v7 =	vor.u32 v3, v9;
	v12 =	vmul.f32 v11, v10  }
0xd4: {  	v10 =	vor.u32 $0x1, v8;
	v9 =	vor.u32 $0x1, v7;
	v11 =	vadd.s32 v5, v13  }
0xd5: {  	v12 =	vmul.f32 v12, v6  }
0xd6: {  	vm0 =	vgt.f32 v6, $0.0e+00  }
0xd7: {  	v6 =	vnsel vm0, $0x0, v12  }
0xd8: {  	[tilespmem:s25+$0x0] =	vst v6  }
0xd9: {  	v59 =	vor.u32 $0x2, v8;
	[tilespmem:v11+s23+$0x0] =	vst.idx.add.s32.msk $0xffff, v4  }
0xda: {  	v6 =	vor.u32 $0x2, v7;
	v11 =	vld.idx.msk [tilespmem:v8+s19+$0x0], $0xffff  }
0xdb: {  	v60 =	vld.idx.msk [tilespmem:v7+s19+$0x0], $0xffff  }
0xdc: {  	v10 =	vld.idx.msk [tilespmem:v10+s19+$0x0], $0xffff  }
0xdd: {  	v9 =	vld.idx.msk [tilespmem:v9+s19+$0x0], $0xffff  }
0xde: {  	v8 =	vld.idx.msk [tilespmem:v59+s19+$0x0], $0xffff  }
0xdf: {  	v6 =	vld.idx.msk [tilespmem:v6+s19+$0x0], $0xffff;
	_ =	sdelay $0x2  }
0xe0: {  	v11 =	vsub.f32 v11, v60;
	v9 =	vsub.f32 v10, v9;
	_ =	sdelay $0x1  }
0xe1: {  	v61 =	vmul.f32 v11, v11;
	v10 =	vmul.f32 v9, v9;
	v6 =	vsub.f32 v8, v6;
	_ =	sdelay $0x1  }
0xe2: {  	v8 =	vadd.f32 v10, v61;
	v62 =	vmul.f32 v6, v6;
	_ =	sdelay $0x1  }
0xe3: {  	v8 =	vadd.f32 v62, v8;
	_ =	sdelay $0x1  }
0xe4: {  	v10 =	vshrl.u32 v8, $0x1;
	v63 =	vmul.f32 $5.000000000e-01, v8  }
0xe5: {  	v10 =	vsub.s32 $0x5F3759DF, v10  }
0xe6: {  	v13 =	vmul.f32 v10, v63;
	_ =	sdelay $0x1  }
0xe7: {  	v7 =	vor.u32 $0x3, v7;
	v13 =	vmul.f32 v10, v13;
	_ =	sdelay $0x1  }
0xe8: {  	v13 =	vsub.f32 $1.500000000e+00, v13;
	_ =	sdelay $0x1  }
0xe9: {  	v10 =	vmul.f32 v10, v13  }
0xea: {  	v7 =	vld.idx.msk [tilespmem:v7+s19+$0x0], $0xffff  }
0xeb: {  	v12 =	vmul.f32 v10, v63;
	_ =	sdelay $0x1  }
0xec: {  	v12 =	vmul.f32 v12, v10;
	_ =	sdelay $0x1  }
0xed: {  	v7 =	vtrunc.f32 v7;
	v12 =	vsub.f32 $1.500000000e+00, v12  }
0xee: {  	s5 =	sshll.u32 s5, $0x6;
	v7 =	vcvt.f32.s32 v7  }
0xef: {  	s5 =	sand.u32 $0x3FFFFE00, s5;
	v10 =	vmul.f32 v12, v10  }
0xf0: {  	s5 =	sor.u32 s18, s5;
	v7 =	vadd.s32 v5, v7  }
0xf1: {  	[tilespmem:s5+$0xB400] =	vst v11;
	v10 =	vmul.f32 v10, v8  }
0xf2: {  	[tilespmem:s5+$0xB480] =	vst v9;
	vm15 =	vgt.f32 v8, $0.0e+00  }
0xf3: {  	s9 =	sadd.s32 $0x10, s16;
	[tilespmem:s5+$0xB500] =	vst v6;
	v6 =	vnsel vm15, $0x0, v10  }
0xf4: {  	[tilespmem:s9+$0x0] =	vst v6  }
0xf5: {  	s24 =	smul.u32 $0xA0, s14;
	s18 =	sadd.s32 s1, s15;
	s25 =	simm.s32 $0xB400;
	[tilespmem:v7+s23+$0x0] =	vst.idx.add.s32.msk $0xffff, v4  }
0xf6: {  	[hbm4b:s18+s7] =	stream.linear.scatter [tilespmem:s25], [sflag:$0x5], $0x1400, $0x38;
	[tilespmem:$0x15CB8] =	vst v63  }
0xf7: {  	s31 =	simm.s32 $0xDC00;
	s30 =	sadd.s32 s2, s24;
	s5 =	simm.s32 @!p2 $0x4  }
0xf8: {  	[hbm4b:s30+s7] =	stream.linear.scatter [tilespmem:s31], [sflag:$0x5], $0x500, $0x38;
	[tilespmem:$0x15CB8] =	vst v63  }
0xf9: {  	_ =	swait.ge @!p2 [sflag:s5], $0x5000  }
0xfa: {  	[sflag:s5] =	ssyncset.done @!p2 $0x0  }
0xfb: {  	[sflag:s5] =	ssyncadd.s32 @!p2 $0xFFFFB000  }
.LBB2_10:
0xfc: {  	s5 =	sadd.s32 s13, s11  }
0xfd: {  	p4 =	sgt.u32 s5, $0x9C3  }
0xfe: {  	s5 =	smul.u32 @!p4 $0x140, s5;
	_ =	sdelay $0x1  }
0xff: {  	s9 =	simm.s32 @!p4 $0x0;
	s11 =	simm.s32 @!p4 $0xA00;
	s5 =	sadd.s32 @!p4 s0, s5  }
0x100: {  	[tilespmem:s11], [sflag:$0x2] =	stream.linear.gather @!p4 [hbm4b:s5+s9], $0xA00, $0x38;
	[tilespmem:$0x15CB8] =	vst v63  }
0x101: {  	s5 =	simm.s32 @!p1 $0x1  }
0x102: {  	_ =	swait.ge @!p1 [sflag:s5], $0xA00  }
0x103: {  	s9 =	simm.s32 @!p1 $0x0;
	[sflag:s5] =	ssyncset.done @!p1 $0x0  }
0x104: {  	s11 =	simm.s32 @!p1 $0x1400;
	[sflag:s5] =	ssyncadd.s32 @!p1 $0xFFFFF600;
	s5 =	simm.s32 @!p1 $0xA00  }
0x105: {  	[tilespmem:s11], [sflag:$0x3] =	stream.indirect.gather @!p1 [spmem:s6], $0x8, s9, s5, $0xb8;
	[tilespmem:$0x15CB8] =	vst v63  }
0x106: {  	p1 =	sgt.u32 @!p3 s10, $0x9C3  }
0x107: {  	p1 =	por p3, p1  }
.Ltmp7:
0x108: {  	_ = 	snop;
	(pc) =	sbr.rel @p1 .LBB2_12-.Ltmp7, $1  }
0x109: {  	_ =	sdelay $0x3  }
0x10a: {  	_ =	swait.ge [sflag:s26], $0x1400  }
0x10b: {  	[sflag:s26] =	ssyncset.done $0x0  }
0x10c: {  	[sflag:s26] =	ssyncadd.s32 $0xFFFFEC00  }
0x10d: {  	_ =	swait.ge [sflag:s26], $0x500  }
0x10e: {  	[sflag:s26] =	ssyncset.done $0x0  }
0x10f: {  	[sflag:s26] =	ssyncadd.s32 $0xFFFFFB00  }
0x110: {  	_ =	swait.ge [sflag:s28], $0x1400  }
0x111: {  	[sflag:s28] =	ssyncset.done $0x0  }
0x112: {  	[sflag:s28] =	ssyncadd.s32 $0xFFFFEC00  }
0x113: {  	_ =	swait.ge [sflag:s28], $0x1400  }
0x114: {  	[sflag:s28] =	ssyncset.done $0x0  }
0x115: {  	[sflag:s28] =	ssyncadd.s32 $0xFFFFEC00  }
.LBB2_13:
0x116: {  	s5 =	simm.s32 $0x0;
	s9 =	simm.s32 $0x0  }
0x117: {  	s14 =	sand.u32 $0x70, s5;
	s9 =	sand.u32 $0xFFFFFF00, s9  }
0x118: {  	s9 =	sor.u32 s14, s9  }
0x119: {  	v6 =	vmov s9  }
0x11a: {  	s11 =	smul.u32 $0x280, s10;
	v6 =	vshll.u32 v6, $0x3  }
0x11b: {  	v7 =	vor.u32 v0, v6  }
0x11c: {  	s25 =	sadd.s32 s3, s11;
	v8 =	vor.u32 v3, v6  }
0x11d: {  	[hbm4b:s25+s5] =	stream.linear.scatter [tilespmem:s22], [sflag:$0x8], $0x1400, $0x38;
	v6 =	vor.u32 $0x1, v7;
	[tilespmem:$0x15CB8] =	vst v63  }
0x11e: {  	s30 =	sadd.s32 s4, s11;
	v9 =	vor.u32 $0x1, v8  }
0x11f: {  	[hbm4b:s30+s5] =	stream.linear.scatter [tilespmem:s22], [sflag:$0x8], $0x1400, $0x38;
	v10 =	vor.u32 $0x2, v8;
	[tilespmem:$0x15CB8] =	vst v63  }
0x120: {  	v11 =	vld.idx.msk [tilespmem:v7+s29+$0x0], $0xffff;
	v7 =	vor.u32 $0x2, v7  }
0x121: {  	v12 =	vld.idx.msk [tilespmem:v8+s29+$0x0], $0xffff  }
0x122: {  	v6 =	vld.idx.msk [tilespmem:v6+s29+$0x0], $0xffff  }
0x123: {  	v9 =	vld.idx.msk [tilespmem:v9+s29+$0x0], $0xffff  }
0x124: {  	v10 =	vld.idx.msk [tilespmem:v10+s29+$0x0], $0xffff  }
0x125: {  	v7 =	vld.idx.msk [tilespmem:v7+s29+$0x0], $0xffff;
	_ =	sdelay $0x2  }
0x126: {  	v11 =	vsub.f32 v11, v12;
	v9 =	vsub.f32 v6, v9;
	_ =	sdelay $0x1  }
0x127: {  	v6 =	vmul.f32 v11, v11;
	v10 =	vsub.f32 v7, v10;
	v7 =	vmul.f32 v9, v9;
	_ =	sdelay $0x1  }
0x128: {  	v6 =	vadd.f32 v7, v6;
	v7 =	vmul.f32 v10, v10;
	_ =	sdelay $0x1  }
0x129: {  	v6 =	vadd.f32 v7, v6;
	_ =	sdelay $0x1  }
0x12a: {  	v7 =	vshrl.u32 v6, $0x1;
	v12 =	vmul.f32 $5.000000000e-01, v6  }
0x12b: {  	v7 =	vsub.s32 $0x5F3759DF, v7  }
0x12c: {  	v13 =	vmul.f32 v7, v12  }
0x12d: {  	v8 =	vor.u32 $0x3, v8  }
0x12e: {  	v13 =	vmul.f32 v7, v13;
	_ =	sdelay $0x1  }
0x12f: {  	v13 =	vsub.f32 $1.500000000e+00, v13;
	_ =	sdelay $0x1  }
0x130: {  	v13 =	vmul.f32 v7, v13;
	v7 =	vld.idx.msk [tilespmem:v8+s29+$0x0], $0xffff  }
0x131: {  	s31 =	simm.s32 $0x20;
	s9 =	simm.s32 $0x10  }
0x132: {  	s16 =	simm.s32 $0x0;
	s15 =	sand.u32 $0x70, s9;
	s5 =	sand.u32 $0xFFFFFF00, s31;
	v8 =	vmul.f32 v13, v12  }
0x133: {  	s16 =	sand.u32 $0x3FFFFE00, s16;
	s5 =	sor.u32 s15, s5  }
0x134: {  	s18 =	sor.u32 s14, s16;
	v12 =	vmov s5;
	v8 =	vmul.f32 v8, v13  }
0x135: {  	[tilespmem:s18+$0xC800] =	vst v11;
	v11 =	vshll.u32 v12, $0x3;
	v7 =	vtrunc.f32 v7  }
0x136: {  	v14 =	vsub.f32 $1.500000000e+00, v8;
	v15 =	vcvt.f32.s32 v7;
	v8 =	vor.u32 v0, v11  }
0x137: {  	s14 =	simm.s32 $0xE100;
	[tilespmem:s18+$0xC900] =	vst v10;
	v7 =	vor.u32 v3, v11;
	v10 =	vor.u32 $0x1, v8  }
0x138: {  	s16 =	simm.s32 $0x2;
	[tilespmem:s18+$0xC880] =	vst v9;
	s18 =	simm.s32 $0xE100;
	s5 =	simm.s32 $0x1;
	v9 =	vor.u32 $0x1, v7;
	v12 =	vmul.f32 v14, v13;
	v11 =	vadd.s32 v5, v15  }
.LBB2_14:
0x139: {  	p1 =	sne.s32 s16, $0x4F  }
0x13a: {  	v13 =	vor.u32 $0x2, v7;
	v12 =	vmul.f32 v12, v6;
	s14 =	sadd.s32 $0x10, s14;
	s24 =	smov.u32 s16;
	s16 =	sadd.s32 $0x1, s16  }
0x13b: {  	vm0 =	vgt.f32 v6, $0.0e+00  }
0x13c: {  	v6 =	vnsel vm0, $0x0, v12  }
0x13d: {  	[tilespmem:s18+$0x0] =	vst v6;
	s18 =	smov.u32 s14  }
0x13e: {  	[tilespmem:v11+s23+$0x0] =	vst.idx.add.s32.msk $0xffff, v4  }
0x13f: {  	v6 =	vld.idx.msk [tilespmem:v8+s29+$0x0], $0xffff;
	v8 =	vor.u32 $0x2, v8  }
0x140: {  	v11 =	vld.idx.msk [tilespmem:v7+s29+$0x0], $0xffff  }
0x141: {  	v10 =	vld.idx.msk [tilespmem:v10+s29+$0x0], $0xffff  }
0x142: {  	v9 =	vld.idx.msk [tilespmem:v9+s29+$0x0], $0xffff  }
0x143: {  	v12 =	vld.idx.msk [tilespmem:v13+s29+$0x0], $0xffff  }
0x144: {  	v8 =	vld.idx.msk [tilespmem:v8+s29+$0x0], $0xffff;
	_ =	sdelay $0x1  }
0x145: {  	v11 =	vsub.f32 v6, v11;
	_ =	sdelay $0x1  }
0x146: {  	v9 =	vsub.f32 v10, v9;
	_ =	sdelay $0x1  }
0x147: {  	v6 =	vmul.f32 v11, v11;
	v8 =	vsub.f32 v8, v12;
	v10 =	vmul.f32 v9, v9;
	_ =	sdelay $0x1  }
0x148: {  	v6 =	vadd.f32 v10, v6;
	v10 =	vmul.f32 v8, v8;
	_ =	sdelay $0x1  }
0x149: {  	v6 =	vadd.f32 v10, v6;
	_ =	sdelay $0x1  }
0x14a: {  	v10 =	vshrl.u32 v6, $0x1;
	v12 =	vmul.f32 $5.000000000e-01, v6  }
0x14b: {  	v10 =	vsub.s32 $0x5F3759DF, v10  }
0x14c: {  	v13 =	vmul.f32 v10, v12  }
0x14d: {  	v7 =	vor.u32 $0x3, v7  }
0x14e: {  	v13 =	vmul.f32 v10, v13;
	_ =	sdelay $0x1  }
0x14f: {  	s25 =	sshll.u32 s5, $0x6;
	s5 =	smov.u32 s24;
	v13 =	vsub.f32 $1.500000000e+00, v13  }
0x150: {  	s24 =	sand.u32 $0x3FFFFE00, s25  }
0x151: {  	s15 =	sor.u32 s15, s24;
	v10 =	vmul.f32 v10, v13;
	v7 =	vld.idx.msk [tilespmem:v7+s29+$0x0], $0xffff  }
0x152: {  	[tilespmem:s15+$0xC800] =	vst v11  }
0x153: {  	v11 =	vmul.f32 v10, v12;
	[tilespmem:s15+$0xC880] =	vst v9  }
0x154: {  	s9 =	sadd.s32 $0x10, s9;
	s24 =	sshll.u32 s5, $0x5;
	[tilespmem:s15+$0xC900] =	vst v8  }
0x155: {  	s24 =	sand.u32 $0xFFFFFF00, s24;
	s15 =	sand.u32 $0x70, s9;
	v8 =	vmul.f32 v11, v10  }
.Ltmp8:
0x156: {  	s24 =	sor.u32 s15, s24;
	(pc) =	sbr.rel @p1 .LBB2_14-.Ltmp8, $4  }
0x157: {  	v9 =	vmov s24;
	v11 =	vsub.f32 $1.500000000e+00, v8;
	v7 =	vtrunc.f32 v7  }
0x158: {  	v9 =	vshll.u32 v9, $0x3;
	v13 =	vcvt.f32.s32 v7  }
0x159: {  	v8 =	vor.u32 v0, v9;
	v7 =	vor.u32 v3, v9;
	v12 =	vmul.f32 v11, v10  }
0x15a: {  	v10 =	vor.u32 $0x1, v8;
	v9 =	vor.u32 $0x1, v7;
	v11 =	vadd.s32 v5, v13  }
0x15b: {  	v12 =	vmul.f32 v12, v6  }
0x15c: {  	vm0 =	vgt.f32 v6, $0.0e+00  }
0x15d: {  	v6 =	vnsel vm0, $0x0, v12  }
0x15e: {  	[tilespmem:s18+$0x0] =	vst v6  }
0x15f: {  	v59 =	vor.u32 $0x2, v8;
	[tilespmem:v11+s23+$0x0] =	vst.idx.add.s32.msk $0xffff, v4  }
0x160: {  	v6 =	vor.u32 $0x2, v7;
	v11 =	vld.idx.msk [tilespmem:v8+s29+$0x0], $0xffff  }
0x161: {  	v60 =	vld.idx.msk [tilespmem:v7+s29+$0x0], $0xffff  }
0x162: {  	v10 =	vld.idx.msk [tilespmem:v10+s29+$0x0], $0xffff  }
0x163: {  	v9 =	vld.idx.msk [tilespmem:v9+s29+$0x0], $0xffff  }
0x164: {  	v8 =	vld.idx.msk [tilespmem:v59+s29+$0x0], $0xffff  }
0x165: {  	v6 =	vld.idx.msk [tilespmem:v6+s29+$0x0], $0xffff;
	_ =	sdelay $0x2  }
0x166: {  	v11 =	vsub.f32 v11, v60;
	v9 =	vsub.f32 v10, v9;
	_ =	sdelay $0x1  }
0x167: {  	v61 =	vmul.f32 v11, v11;
	v10 =	vmul.f32 v9, v9;
	v6 =	vsub.f32 v8, v6;
	_ =	sdelay $0x1  }
0x168: {  	v8 =	vadd.f32 v10, v61;
	v62 =	vmul.f32 v6, v6;
	_ =	sdelay $0x1  }
0x169: {  	v8 =	vadd.f32 v62, v8;
	_ =	sdelay $0x1  }
0x16a: {  	v10 =	vshrl.u32 v8, $0x1;
	v63 =	vmul.f32 $5.000000000e-01, v8  }
0x16b: {  	v10 =	vsub.s32 $0x5F3759DF, v10  }
0x16c: {  	v13 =	vmul.f32 v10, v63;
	_ =	sdelay $0x1  }
0x16d: {  	v7 =	vor.u32 $0x3, v7;
	v13 =	vmul.f32 v10, v13;
	_ =	sdelay $0x1  }
0x16e: {  	v13 =	vsub.f32 $1.500000000e+00, v13;
	_ =	sdelay $0x1  }
0x16f: {  	v10 =	vmul.f32 v10, v13  }
0x170: {  	v7 =	vld.idx.msk [tilespmem:v7+s29+$0x0], $0xffff  }
0x171: {  	v12 =	vmul.f32 v10, v63;
	_ =	sdelay $0x1  }
0x172: {  	v12 =	vmul.f32 v12, v10;
	_ =	sdelay $0x1  }
0x173: {  	v7 =	vtrunc.f32 v7;
	v12 =	vsub.f32 $1.500000000e+00, v12  }
0x174: {  	s5 =	sshll.u32 s5, $0x6;
	v7 =	vcvt.f32.s32 v7  }
0x175: {  	s5 =	sand.u32 $0x3FFFFE00, s5;
	v10 =	vmul.f32 v12, v10  }
0x176: {  	s5 =	sor.u32 s15, s5;
	v7 =	vadd.s32 v5, v7  }
0x177: {  	[tilespmem:s5+$0xC800] =	vst v11;
	v10 =	vmul.f32 v10, v8  }
0x178: {  	[tilespmem:s5+$0xC880] =	vst v9;
	vm15 =	vgt.f32 v8, $0.0e+00  }
0x179: {  	s9 =	sadd.s32 $0x10, s14;
	[tilespmem:s5+$0xC900] =	vst v6;
	v6 =	vnsel vm15, $0x0, v10  }
.Ltmp9:
0x17a: {  	[tilespmem:s9+$0x0] =	vst v6;
	(pc) =	sbr.rel .LBB2_16-.Ltmp9, $4  }
0x17b: {  	s24 =	smul.u32 $0xA0, s10;
	s25 =	simm.s32 $0xC800;
	s18 =	sadd.s32 s1, s11;
	[tilespmem:v7+s23+$0x0] =	vst.idx.add.s32.msk $0xffff, v4  }
0x17c: {  	[hbm4b:s18+s7] =	stream.linear.scatter [tilespmem:s25], [sflag:$0x6], $0x1400, $0x38;
	[tilespmem:$0x15CB8] =	vst v63  }
0x17d: {  	s31 =	simm.s32 $0xE100;
	s30 =	sadd.s32 s2, s24  }
0x17e: {  	[hbm4b:s30+s7] =	stream.linear.scatter [tilespmem:s31], [sflag:$0x6], $0x500, $0x38;
	[tilespmem:$0x15CB8] =	vst v63  }
.LBB2_6:
.Ltmp10:
0x17f: {  	(pc) =	sbr.rel @p4 .LBB2_10-.Ltmp10, $4  }
.Ltmp11:
0x180: {  	(pc) =	sbr.rel @!p4 .LBB2_7-.Ltmp11, $4  }
0x181: {  	_ = 	snop  }
0x182: {  	_ = 	snop  }
0x183: {  	_ = 	snop  }
0x184: {  	_ = 	snop  }
.LBB2_12:
.Ltmp12:
0x185: {  	(pc) =	sbr.rel @p2 .LBB2_16-.Ltmp12, $4  }
.Ltmp13:
0x186: {  	(pc) =	sbr.rel @!p2 .LBB2_13-.Ltmp13, $4  }
0x187: {  	_ = 	snop  }
0x188: {  	_ = 	snop  }
0x189: {  	_ = 	snop  }
0x18a: {  	_ = 	snop  }
.LBB2_18:
0x18b: {  	_ =	sfence.sel $0x180000  }
0x18c: {  	[bflag:$0x0] =	sbarrier.arrive $0xFFFF  }
0x18d: {  	_ =	strace $0x90000047  }
0x18e: {  	[bflag:$0x2] =	sbarrier.arrive $0xFFFF  }
0x18f: {  	s0 =	rddreg [dreg:$0x8]  }
0x190: {  	s0 =	sadd.s32 @!p0 $0x100000, s0  }
0x191: {  	[sflag:s0] =	ssyncadd.tile.s32 @!p0 $0x1;
	_ =	shalt  }
.Lfunc_end2:
_tile_overlayer_lowered:
.L_overlay_start_2:
0x192: {  	(tag) =	ssettag $0x2  }
0x193: {  	s0 =	rddreg [dreg:$0x0];
	s2 =	stileid.u32  }
0x194: {  	s1 =	rddreg [dreg:$0x1];
	p0 =	sne.s32 s2, $0x0  }
0x195: {  	s3 =	rddreg [dreg:$0x2];
	[bflag:$0x3] =	sbarrier.arrive $0xFFFF;
	s2 =	simm.s32 @!p0 $0x1C09  }
0x196: {  	[timem:s3], [sflag:s2] =	dma.local @!p0 [hbm:s0], s1  }
0x197: {  	s0 =	simm.s32 @!p0 $0x9  }
0x198: {  	_ =	swait.ge @!p0 [sflag:s0], s1  }
0x199: {  	s1 =	ssub.s32 @!p0 $0x0, s1;
	[sflag:s0] =	ssyncset.done @!p0 $0x0  }
0x19a: {  	[sflag:s0] =	ssyncadd.s32 @!p0 s1  }
0x19b: {  	[bflag:$0x3] =	sbarrier.arrive $0xFFFF  }
0x19c: {  	_ =	shalt  }

</sc_bundles>
